<compile_context>
chip_gen: v7x
topology: tpu7x:2x2x1
jax: 0.10.2.dev20260603
libtpu: 0.0.44.dev20260713+nightly
codegen_flags: <defaults>
</compile_context>

<pallas_src>
import functools

import jax
import jax.numpy as jnp
from jax import lax
from jax._src import core as _jax_core
from jax._src.pallas import core as _pallas_core
from jax.experimental import pallas as pl
from jax.experimental.pallas import tpu as pltpu
from jax.experimental.pallas import tpu_sc as plsc

VOCAB = 1000000
EMBED = 64
BATCH = 16384

_HALF = 256


def _to_default_space(x):
  return _pallas_core.with_memory_space_constraint_p.bind(
      x, memory_space=_jax_core.MemorySpace.Device)


def _build_kernel():
  info = plsc.get_sparse_core_info()
  nc, ns = info.num_cores, info.num_subcores
  nw = nc * ns
  b_per_w = BATCH // nw
  n_halves = b_per_w // _HALF

  mesh = plsc.VectorSubcoreMesh(core_axis_name="c", subcore_axis_name="s")

  @functools.partial(
      pl.kernel,
      mesh=mesh,
      out_type=(
          pltpu.HBM((BATCH, EMBED), jnp.float32),
          pltpu.HBM((BATCH, EMBED), jnp.float32),
      ),
      scratch_types=[
          pltpu.VMEM((b_per_w,), jnp.int32),
          pltpu.VMEM((b_per_w,), jnp.int32),
          pltpu.VMEM((_HALF, EMBED), jnp.float32),
          pltpu.VMEM((_HALF, EMBED), jnp.float32),
          pltpu.SemaphoreType.DMA,
          pltpu.SemaphoreType.DMA,
      ],
  )
  def lookup(center_hbm, context_hbm, word_hbm, ctx_hbm,
             out_c, out_x, cidx_v, xidx_v, crows_v, xrows_v, sem_c, sem_x):
    wid = lax.axis_index("s") * nc + lax.axis_index("c")
    base = wid * b_per_w

    pltpu.sync_copy(center_hbm.at[pl.ds(base, b_per_w)], cidx_v)
    pltpu.sync_copy(context_hbm.at[pl.ds(base, b_per_w)], xidx_v)

    for half in range(n_halves):
      def group_body(g, _):
        cv = cidx_v[pl.ds(half * _HALF + g * 16, 16)]
        xv = xidx_v[pl.ds(half * _HALF + g * 16, 16)]
        for lane in range(16):
          pltpu.async_copy(word_hbm.at[pl.ds(cv[lane], 1)],
                           crows_v.at[pl.ds(g * 16 + lane, 1)], sem_c)
          pltpu.async_copy(ctx_hbm.at[pl.ds(xv[lane], 1)],
                           xrows_v.at[pl.ds(g * 16 + lane, 1)], sem_x)
        return 0

      lax.fori_loop(0, _HALF // 16, group_body, 0)

      pltpu.make_async_copy(word_hbm.at[pl.ds(0, _HALF)], crows_v,
                            sem_c).wait()
      pltpu.make_async_copy(ctx_hbm.at[pl.ds(0, _HALF)], xrows_v,
                            sem_x).wait()

      pltpu.sync_copy(crows_v, out_c.at[pl.ds(base + half * _HALF, _HALF)])
      pltpu.sync_copy(xrows_v, out_x.at[pl.ds(base + half * _HALF, _HALF)])

  return lookup


_lookup = _build_kernel()


@jax.jit
def kernel(center, context, word_embeds, context_embeds):
  out_c, out_x = _lookup(center.astype(jnp.int32), context.astype(jnp.int32),
                         word_embeds, context_embeds)
  return _to_default_space(out_c), _to_default_space(out_x)

# --- scband reference (transcript-rebuilt; emitter-appended) ---
"""Pipeline reference for scband-skip-gram-embeddings-88613765251185 (READ-ONLY COPY).

The authoritative reference and input builder live on the scoring server;
editing this copy changes nothing except your own understanding.
"""

import jax, jax.numpy as jnp
import numpy as np

VOCAB = 1000000
EMBED = 64
BATCH = 16384

def setup_inputs(seed: int = 0) -> dict:
    key = jax.random.key(seed)
    k1, k2, k3, k4 = jax.random.split(key, 4)
    center = jax.random.randint(k1, (BATCH,), 0, VOCAB, dtype=jnp.int64 if jax.config.jax_enable_x64 else jnp.int32)
    context = jax.random.randint(k2, (BATCH,), 0, VOCAB, dtype=jnp.int64 if jax.config.jax_enable_x64 else jnp.int32)
    word_embeds = jax.random.normal(k3, (VOCAB, EMBED), dtype=jnp.float32)
    context_embeds = jax.random.normal(k4, (VOCAB, EMBED), dtype=jnp.float32)
    return {"center": center, "context": context, "word_embeds": word_embeds, "context_embeds": context_embeds}

def reference(center, context, word_embeds, context_embeds):
    # Faithful translation of SkipGramEmbeddings.forward:
    # returns (word_embeds(center), context_embeds(context))
    center_vecs = jnp.take(word_embeds, center, axis=0)
    context_vecs = jnp.take(context_embeds, context, axis=0)
    return (center_vecs, context_vecs)

if __name__ == "__main__":
    import jax
    _d = setup_inputs()
    print(jax.jit(kernel)(*tuple(_d.values())))

</pallas_src>

<mosaic_0001>
#map = affine_map<(d0, d1) -> (0)>
#map1 = affine_map<(d0, d1) -> (0, 0)>
module attributes {stable_mosaic.version = 14 : i64} {
  func.func @lookup(%arg0: i32, %arg1: i32, %arg2: memref<16384xi32, #tpu.memory_space<hbm>>, %arg3: memref<16384xi32, #tpu.memory_space<hbm>>, %arg4: memref<1000000x64xf32, #tpu.memory_space<hbm>>, %arg5: memref<1000000x64xf32, #tpu.memory_space<hbm>>, %arg6: memref<16384x64xf32, #tpu.memory_space<hbm>>, %arg7: memref<16384x64xf32, #tpu.memory_space<hbm>>, %arg8: memref<512xi32, #tpu.memory_space<vmem>>, %arg9: memref<512xi32, #tpu.memory_space<vmem>>, %arg10: memref<256x64xf32, #tpu.memory_space<vmem>>, %arg11: memref<256x64xf32, #tpu.memory_space<vmem>>, %arg12: memref<!tpu.dma_semaphore, #tpu.memory_space<semaphore_mem>>, %arg13: memref<!tpu.dma_semaphore, #tpu.memory_space<semaphore_mem>>) attributes {dimension_semantics = [#tpu.dimension_semantics<core_parallel>, #tpu.dimension_semantics<subcore_parallel>], iteration_bounds = array<i64: 2, 16>, scalar_prefetch = 0 : i64, scratch_operands = 6 : i64, tpu.core_type = #tpu.core_type<sc_vector_subcore>, window_params = [{transform_indices = #map}, {transform_indices = #map}, {transform_indices = #map1}, {transform_indices = #map1}, {transform_indices = #map1}, {transform_indices = #map1}]} {
    %mul3A = arith.constant 2 : i32
    %mul3A_0 = arith.muli %arg1, %mul3A : i32
    %add3A = arith.addi %mul3A_0, %arg0 : i32
    %mul3A_1 = arith.constant 512 : i32
    %mul3A_2 = arith.muli %add3A, %mul3A_1 : i32
    "tpu.region"() ({
      %run_scoped3A = tpu.sem_alloc : memref<!tpu.dma_semaphore, #tpu.memory_space<semaphore_mem>>
      %dma_start3A = tpu.memref_slice %arg2[%mul3A_2] : memref<16384xi32, #tpu.memory_space<hbm>> -> memref<512xi32, #tpu.memory_space<hbm>>
      %dma_start3A_47 = tpu.memref_slice %arg2[%mul3A_2] : memref<16384xi32, #tpu.memory_space<hbm>> -> memref<512xi32, #tpu.memory_space<hbm>>
      tpu.enqueue_dma source(%dma_start3A_47 : memref<512xi32, #tpu.memory_space<hbm>>) target(%arg8 : memref<512xi32, #tpu.memory_space<vmem>>) target_semaphore(%run_scoped3A : memref<!tpu.dma_semaphore, #tpu.memory_space<semaphore_mem>>)
      %dma_wait3A_48 = tpu.memref_slice %arg2[%mul3A_2] : memref<16384xi32, #tpu.memory_space<hbm>> -> memref<512xi32, #tpu.memory_space<hbm>>
      %dma_wait3A_49 = tpu.memref_slice %arg2[%mul3A_2] : memref<16384xi32, #tpu.memory_space<hbm>> -> memref<512xi32, #tpu.memory_space<hbm>>
      tpu.wait_dma2 semaphore(%run_scoped3A : memref<!tpu.dma_semaphore, #tpu.memory_space<semaphore_mem>>) src(%dma_wait3A_49 : memref<512xi32, #tpu.memory_space<hbm>>) dst(%arg8 : memref<512xi32, #tpu.memory_space<vmem>>)
      tpu.yield
    }) : () -> ()
    "tpu.region"() ({
      %run_scoped3A = tpu.sem_alloc : memref<!tpu.dma_semaphore, #tpu.memory_space<semaphore_mem>>
      %dma_start3A = tpu.memref_slice %arg3[%mul3A_2] : memref<16384xi32, #tpu.memory_space<hbm>> -> memref<512xi32, #tpu.memory_space<hbm>>
      %dma_start3A_47 = tpu.memref_slice %arg3[%mul3A_2] : memref<16384xi32, #tpu.memory_space<hbm>> -> memref<512xi32, #tpu.memory_space<hbm>>
      tpu.enqueue_dma source(%dma_start3A_47 : memref<512xi32, #tpu.memory_space<hbm>>) target(%arg9 : memref<512xi32, #tpu.memory_space<vmem>>) target_semaphore(%run_scoped3A : memref<!tpu.dma_semaphore, #tpu.memory_space<semaphore_mem>>)
      %dma_wait3A_48 = tpu.memref_slice %arg3[%mul3A_2] : memref<16384xi32, #tpu.memory_space<hbm>> -> memref<512xi32, #tpu.memory_space<hbm>>
      %dma_wait3A_49 = tpu.memref_slice %arg3[%mul3A_2] : memref<16384xi32, #tpu.memory_space<hbm>> -> memref<512xi32, #tpu.memory_space<hbm>>
      tpu.wait_dma2 semaphore(%run_scoped3A : memref<!tpu.dma_semaphore, #tpu.memory_space<semaphore_mem>>) src(%dma_wait3A_49 : memref<512xi32, #tpu.memory_space<hbm>>) dst(%arg9 : memref<512xi32, #tpu.memory_space<vmem>>)
      tpu.yield
    }) : () -> ()
    %scan3A = arith.constant 0 : i32
    %scan3A_3 = arith.constant 0 : i32
    %scan3A_4 = arith.constant 16 : i32
    %scan3A_5 = arith.addi %scan3A_3, %scan3A_4 : i32
    %scan3A_6 = arith.constant 1 : i32
    %scan3A_7 = scf.for %scan3A_47 = %scan3A_3 to %scan3A_5 step %scan3A_6 iter_args(%scan3A_48 = %scan3A) -> (i32)  : i32 {
      %mul3A_49 = arith.constant 16 : i32
      %mul3A_50 = arith.muli %scan3A_47, %mul3A_49 : i32
      %add3A_51 = arith.constant 0 : i32
      %add3A_52 = arith.addi %add3A_51, %mul3A_50 : i32
      %get3A = arith.index_cast %add3A_52 : i32 to index
      %get3A_53 = tpu.vector_load %arg8[%get3A] {strides = array<i32>} : memref<512xi32, #tpu.memory_space<vmem>>, vector<16xi32>,
      %get3A_54 = vector.shape_cast %get3A_53 : vector<16xi32> to vector<16xi32>
      %mul3A_55 = arith.constant 16 : i32
      %mul3A_56 = arith.muli %scan3A_47, %mul3A_55 : i32
      %add3A_57 = arith.constant 0 : i32
      %add3A_58 = arith.addi %add3A_57, %mul3A_56 : i32
      %get3A_59 = arith.index_cast %add3A_58 : i32 to index
      %get3A_60 = tpu.vector_load %arg9[%get3A_59] {strides = array<i32>} : memref<512xi32, #tpu.memory_space<vmem>>, vector<16xi32>,
      %get3A_61 = vector.shape_cast %get3A_60 : vector<16xi32> to vector<16xi32>
      %slice3A = vector.extract_strided_slice %get3A_54 {offsets = [0], sizes = [1], strides = [1]} : vector<16xi32> to vector<1xi32>
      %squeeze3A = vector.extract %slice3A[0] : i32 from vector<1xi32>
      %mul3A_62 = arith.constant 16 : i32
      %mul3A_63 = arith.muli %scan3A_47, %mul3A_62 : i32
      %add3A_64 = arith.constant 0 : i32
      %add3A_65 = arith.addi %mul3A_63, %add3A_64 : i32
      %dma_start3A = arith.constant 0 : i32
      %dma_start3A_66 = tpu.memref_slice %arg10[%add3A_65, %dma_start3A] : memref<256x64xf32, #tpu.memory_space<vmem>> -> memref<1x64xf32, #tpu.memory_space<vmem>>
      %dma_start3A_67 = arith.constant 0 : i32
      %dma_start3A_68 = tpu.memref_slice %arg4[%squeeze3A, %dma_start3A_67] : memref<1000000x64xf32, #tpu.memory_space<hbm>> -> memref<1x64xf32, #tpu.memory_space<hbm>>
      %dma_start3A_69 = arith.constant 0 : i32
      %dma_start3A_70 = tpu.memref_slice %arg10[%add3A_65, %dma_start3A_69] : memref<256x64xf32, #tpu.memory_space<vmem>> -> memref<1x64xf32, #tpu.memory_space<vmem>>
      %dma_start3A_71 = arith.constant 0 : i32
      %dma_start3A_72 = tpu.memref_slice %arg4[%squeeze3A, %dma_start3A_71] : memref<1000000x64xf32, #tpu.memory_space<hbm>> -> memref<1x64xf32, #tpu.memory_space<hbm>>
      tpu.enqueue_dma source(%dma_start3A_72 : memref<1x64xf32, #tpu.memory_space<hbm>>) target(%dma_start3A_70 : memref<1x64xf32, #tpu.memory_space<vmem>>) target_semaphore(%arg12 : memref<!tpu.dma_semaphore, #tpu.memory_space<semaphore_mem>>)
      %slice3A_73 = vector.extract_strided_slice %get3A_61 {offsets = [0], sizes = [1], strides = [1]} : vector<16xi32> to vector<1xi32>
      %squeeze3A_74 = vector.extract %slice3A_73[0] : i32 from vector<1xi32>
      %mul3A_75 = arith.constant 16 : i32
      %mul3A_76 = arith.muli %scan3A_47, %mul3A_75 : i32
      %add3A_77 = arith.constant 0 : i32
      %add3A_78 = arith.addi %mul3A_76, %add3A_77 : i32
      %dma_start3A_79 = arith.constant 0 : i32
      %dma_start3A_80 = tpu.memref_slice %arg11[%add3A_78, %dma_start3A_79] : memref<256x64xf32, #tpu.memory_space<vmem>> -> memref<1x64xf32, #tpu.memory_space<vmem>>
      %dma_start3A_81 = arith.constant 0 : i32
      %dma_start3A_82 = tpu.memref_slice %arg5[%squeeze3A_74, %dma_start3A_81] : memref<1000000x64xf32, #tpu.memory_space<hbm>> -> memref<1x64xf32, #tpu.memory_space<hbm>>
      %dma_start3A_83 = arith.constant 0 : i32
      %dma_start3A_84 = tpu.memref_slice %arg11[%add3A_78, %dma_start3A_83] : memref<256x64xf32, #tpu.memory_space<vmem>> -> memref<1x64xf32, #tpu.memory_space<vmem>>
      %dma_start3A_85 = arith.constant 0 : i32
      %dma_start3A_86 = tpu.memref_slice %arg5[%squeeze3A_74, %dma_start3A_85] : memref<1000000x64xf32, #tpu.memory_space<hbm>> -> memref<1x64xf32, #tpu.memory_space<hbm>>
      tpu.enqueue_dma source(%dma_start3A_86 : memref<1x64xf32, #tpu.memory_space<hbm>>) target(%dma_start3A_84 : memref<1x64xf32, #tpu.memory_space<vmem>>) target_semaphore(%arg13 : memref<!tpu.dma_semaphore, #tpu.memory_space<semaphore_mem>>)
      %slice3A_87 = vector.extract_strided_slice %get3A_54 {offsets = [1], sizes = [1], strides = [1]} : vector<16xi32> to vector<1xi32>
      %squeeze3A_88 = vector.extract %slice3A_87[0] : i32 from vector<1xi32>
      %mul3A_89 = arith.constant 16 : i32
      %mul3A_90 = arith.muli %scan3A_47, %mul3A_89 : i32
      %add3A_91 = arith.constant 1 : i32
      %add3A_92 = arith.addi %mul3A_90, %add3A_91 : i32
      %dma_start3A_93 = arith.constant 0 : i32
      %dma_start3A_94 = tpu.memref_slice %arg10[%add3A_92, %dma_start3A_93] : memref<256x64xf32, #tpu.memory_space<vmem>> -> memref<1x64xf32, #tpu.memory_space<vmem>>
      %dma_start3A_95 = arith.constant 0 : i32
      %dma_start3A_96 = tpu.memref_slice %arg4[%squeeze3A_88, %dma_start3A_95] : memref<1000000x64xf32, #tpu.memory_space<hbm>> -> memref<1x64xf32, #tpu.memory_space<hbm>>
      %dma_start3A_97 = arith.constant 0 : i32
      %dma_start3A_98 = tpu.memref_slice %arg10[%add3A_92, %dma_start3A_97] : memref<256x64xf32, #tpu.memory_space<vmem>> -> memref<1x64xf32, #tpu.memory_space<vmem>>
      %dma_start3A_99 = arith.constant 0 : i32
      %dma_start3A_100 = tpu.memref_slice %arg4[%squeeze3A_88, %dma_start3A_99] : memref<1000000x64xf32, #tpu.memory_space<hbm>> -> memref<1x64xf32, #tpu.memory_space<hbm>>
      tpu.enqueue_dma source(%dma_start3A_100 : memref<1x64xf32, #tpu.memory_space<hbm>>) target(%dma_start3A_98 : memref<1x64xf32, #tpu.memory_space<vmem>>) target_semaphore(%arg12 : memref<!tpu.dma_semaphore, #tpu.memory_space<semaphore_mem>>)
      %slice3A_101 = vector.extract_strided_slice %get3A_61 {offsets = [1], sizes = [1], strides = [1]} : vector<16xi32> to vector<1xi32>
      %squeeze3A_102 = vector.extract %slice3A_101[0] : i32 from vector<1xi32>
      %mul3A_103 = arith.constant 16 : i32
      %mul3A_104 = arith.muli %scan3A_47, %mul3A_103 : i32
      %add3A_105 = arith.constant 1 : i32
      %add3A_106 = arith.addi %mul3A_104, %add3A_105 : i32
      %dma_start3A_107 = arith.constant 0 : i32
      %dma_start3A_108 = tpu.memref_slice %arg11[%add3A_106, %dma_start3A_107] : memref<256x64xf32, #tpu.memory_space<vmem>> -> memref<1x64xf32, #tpu.memory_space<vmem>>
      %dma_start3A_109 = arith.constant 0 : i32
      %dma_start3A_110 = tpu.memref_slice %arg5[%squeeze3A_102, %dma_start3A_109] : memref<1000000x64xf32, #tpu.memory_space<hbm>> -> memref<1x64xf32, #tpu.memory_space<hbm>>
      %dma_start3A_111 = arith.constant 0 : i32
      %dma_start3A_112 = tpu.memref_slice %arg11[%add3A_106, %dma_start3A_111] : memref<256x64xf32, #tpu.memory_space<vmem>> -> memref<1x64xf32, #tpu.memory_space<vmem>>
      %dma_start3A_113 = arith.constant 0 : i32
      %dma_start3A_114 = tpu.memref_slice %arg5[%squeeze3A_102, %dma_start3A_113] : memref<1000000x64xf32, #tpu.memory_space<hbm>> -> memref<1x64xf32, #tpu.memory_space<hbm>>
      tpu.enqueue_dma source(%dma_start3A_114 : memref<1x64xf32, #tpu.memory_space<hbm>>) target(%dma_start3A_112 : memref<1x64xf32, #tpu.memory_space<vmem>>) target_semaphore(%arg13 : memref<!tpu.dma_semaphore, #tpu.memory_space<semaphore_mem>>)
      %slice3A_115 = vector.extract_strided_slice %get3A_54 {offsets = [2], sizes = [1], strides = [1]} : vector<16xi32> to vector<1xi32>
      %squeeze3A_116 = vector.extract %slice3A_115[0] : i32 from vector<1xi32>
      %mul3A_117 = arith.constant 16 : i32
      %mul3A_118 = arith.muli %scan3A_47, %mul3A_117 : i32
      %add3A_119 = arith.constant 2 : i32
      %add3A_120 = arith.addi %mul3A_118, %add3A_119 : i32
      %dma_start3A_121 = arith.constant 0 : i32
      %dma_start3A_122 = tpu.memref_slice %arg10[%add3A_120, %dma_start3A_121] : memref<256x64xf32, #tpu.memory_space<vmem>> -> memref<1x64xf32, #tpu.memory_space<vmem>>
      %dma_start3A_123 = arith.constant 0 : i32
      %dma_start3A_124 = tpu.memref_slice %arg4[%squeeze3A_116, %dma_start3A_123] : memref<1000000x64xf32, #tpu.memory_space<hbm>> -> memref<1x64xf32, #tpu.memory_space<hbm>>
      %dma_start3A_125 = arith.constant 0 : i32
      %dma_start3A_126 = tpu.memref_slice %arg10[%add3A_120, %dma_start3A_125] : memref<256x64xf32, #tpu.memory_space<vmem>> -> memref<1x64xf32, #tpu.memory_space<vmem>>
      %dma_start3A_127 = arith.constant 0 : i32
      %dma_start3A_128 = tpu.memref_slice %arg4[%squeeze3A_116, %dma_start3A_127] : memref<1000000x64xf32, #tpu.memory_space<hbm>> -> memref<1x64xf32, #tpu.memory_space<hbm>>
      tpu.enqueue_dma source(%dma_start3A_128 : memref<1x64xf32, #tpu.memory_space<hbm>>) target(%dma_start3A_126 : memref<1x64xf32, #tpu.memory_space<vmem>>) target_semaphore(%arg12 : memref<!tpu.dma_semaphore, #tpu.memory_space<semaphore_mem>>)
      %slice3A_129 = vector.extract_strided_slice %get3A_61 {offsets = [2], sizes = [1], strides = [1]} : vector<16xi32> to vector<1xi32>
      %squeeze3A_130 = vector.extract %slice3A_129[0] : i32 from vector<1xi32>
      %mul3A_131 = arith.constant 16 : i32
      %mul3A_132 = arith.muli %scan3A_47, %mul3A_131 : i32
      %add3A_133 = arith.constant 2 : i32
      %add3A_134 = arith.addi %mul3A_132, %add3A_133 : i32
      %dma_start3A_135 = arith.constant 0 : i32
      %dma_start3A_136 = tpu.memref_slice %arg11[%add3A_134, %dma_start3A_135] : memref<256x64xf32, #tpu.memory_space<vmem>> -> memref<1x64xf32, #tpu.memory_space<vmem>>
      %dma_start3A_137 = arith.constant 0 : i32
      %dma_start3A_138 = tpu.memref_slice %arg5[%squeeze3A_130, %dma_start3A_137] : memref<1000000x64xf32, #tpu.memory_space<hbm>> -> memref<1x64xf32, #tpu.memory_space<hbm>>
      %dma_start3A_139 = arith.constant 0 : i32
      %dma_start3A_140 = tpu.memref_slice %arg11[%add3A_134, %dma_start3A_139] : memref<256x64xf32, #tpu.memory_space<vmem>> -> memref<1x64xf32, #tpu.memory_space<vmem>>
      %dma_start3A_141 = arith.constant 0 : i32
      %dma_start3A_142 = tpu.memref_slice %arg5[%squeeze3A_130, %dma_start3A_141] : memref<1000000x64xf32, #tpu.memory_space<hbm>> -> memref<1x64xf32, #tpu.memory_space<hbm>>
      tpu.enqueue_dma source(%dma_start3A_142 : memref<1x64xf32, #tpu.memory_space<hbm>>) target(%dma_start3A_140 : memref<1x64xf32, #tpu.memory_space<vmem>>) target_semaphore(%arg13 : memref<!tpu.dma_semaphore, #tpu.memory_space<semaphore_mem>>)
      %slice3A_143 = vector.extract_strided_slice %get3A_54 {offsets = [3], sizes = [1], strides = [1]} : vector<16xi32> to vector<1xi32>
      %squeeze3A_144 = vector.extract %slice3A_143[0] : i32 from vector<1xi32>
      %mul3A_145 = arith.constant 16 : i32
      %mul3A_146 = arith.muli %scan3A_47, %mul3A_145 : i32
      %add3A_147 = arith.constant 3 : i32
      %add3A_148 = arith.addi %mul3A_146, %add3A_147 : i32
      %dma_start3A_149 = arith.constant 0 : i32
      %dma_start3A_150 = tpu.memref_slice %arg10[%add3A_148, %dma_start3A_149] : memref<256x64xf32, #tpu.memory_space<vmem>> -> memref<1x64xf32, #tpu.memory_space<vmem>>
      %dma_start3A_151 = arith.constant 0 : i32
      %dma_start3A_152 = tpu.memref_slice %arg4[%squeeze3A_144, %dma_start3A_151] : memref<1000000x64xf32, #tpu.memory_space<hbm>> -> memref<1x64xf32, #tpu.memory_space<hbm>>
      %dma_start3A_153 = arith.constant 0 : i32
      %dma_start3A_154 = tpu.memref_slice %arg10[%add3A_148, %dma_start3A_153] : memref<256x64xf32, #tpu.memory_space<vmem>> -> memref<1x64xf32, #tpu.memory_space<vmem>>
      %dma_start3A_155 = arith.constant 0 : i32
      %dma_start3A_156 = tpu.memref_slice %arg4[%squeeze3A_144, %dma_start3A_155] : memref<1000000x64xf32, #tpu.memory_space<hbm>> -> memref<1x64xf32, #tpu.memory_space<hbm>>
      tpu.enqueue_dma source(%dma_start3A_156 : memref<1x64xf32, #tpu.memory_space<hbm>>) target(%dma_start3A_154 : memref<1x64xf32, #tpu.memory_space<vmem>>) target_semaphore(%arg12 : memref<!tpu.dma_semaphore, #tpu.memory_space<semaphore_mem>>)
      %slice3A_157 = vector.extract_strided_slice %get3A_61 {offsets = [3], sizes = [1], strides = [1]} : vector<16xi32> to vector<1xi32>
      %squeeze3A_158 = vector.extract %slice3A_157[0] : i32 from vector<1xi32>
      %mul3A_159 = arith.constant 16 : i32
      %mul3A_160 = arith.muli %scan3A_47, %mul3A_159 : i32
      %add3A_161 = arith.constant 3 : i32
      %add3A_162 = arith.addi %mul3A_160, %add3A_161 : i32
      %dma_start3A_163 = arith.constant 0 : i32
      %dma_start3A_164 = tpu.memref_slice %arg11[%add3A_162, %dma_start3A_163] : memref<256x64xf32, #tpu.memory_space<vmem>> -> memref<1x64xf32, #tpu.memory_space<vmem>>
      %dma_start3A_165 = arith.constant 0 : i32
      %dma_start3A_166 = tpu.memref_slice %arg5[%squeeze3A_158, %dma_start3A_165] : memref<1000000x64xf32, #tpu.memory_space<hbm>> -> memref<1x64xf32, #tpu.memory_space<hbm>>
      %dma_start3A_167 = arith.constant 0 : i32
      %dma_start3A_168 = tpu.memref_slice %arg11[%add3A_162, %dma_start3A_167] : memref<256x64xf32, #tpu.memory_space<vmem>> -> memref<1x64xf32, #tpu.memory_space<vmem>>
      %dma_start3A_169 = arith.constant 0 : i32
      %dma_start3A_170 = tpu.memref_slice %arg5[%squeeze3A_158, %dma_start3A_169] : memref<1000000x64xf32, #tpu.memory_space<hbm>> -> memref<1x64xf32, #tpu.memory_space<hbm>>
      tpu.enqueue_dma source(%dma_start3A_170 : memref<1x64xf32, #tpu.memory_space<hbm>>) target(%dma_start3A_168 : memref<1x64xf32, #tpu.memory_space<vmem>>) target_semaphore(%arg13 : memref<!tpu.dma_semaphore, #tpu.memory_space<semaphore_mem>>)
      %slice3A_171 = vector.extract_strided_slice %get3A_54 {offsets = [4], sizes = [1], strides = [1]} : vector<16xi32> to vector<1xi32>
      %squeeze3A_172 = vector.extract %slice3A_171[0] : i32 from vector<1xi32>
      %mul3A_173 = arith.constant 16 : i32
      %mul3A_174 = arith.muli %scan3A_47, %mul3A_173 : i32
      %add3A_175 = arith.constant 4 : i32
      %add3A_176 = arith.addi %mul3A_174, %add3A_175 : i32
      %dma_start3A_177 = arith.constant 0 : i32
      %dma_start3A_178 = tpu.memref_slice %arg10[%add3A_176, %dma_start3A_177] : memref<256x64xf32, #tpu.memory_space<vmem>> -> memref<1x64xf32, #tpu.memory_space<vmem>>
      %dma_start3A_179 = arith.constant 0 : i32
      %dma_start3A_180 = tpu.memref_slice %arg4[%squeeze3A_172, %dma_start3A_179] : memref<1000000x64xf32, #tpu.memory_space<hbm>> -> memref<1x64xf32, #tpu.memory_space<hbm>>
      %dma_start3A_181 = arith.constant 0 : i32
      %dma_start3A_182 = tpu.memref_slice %arg10[%add3A_176, %dma_start3A_181] : memref<256x64xf32, #tpu.memory_space<vmem>> -> memref<1x64xf32, #tpu.memory_space<vmem>>
      %dma_start3A_183 = arith.constant 0 : i32
      %dma_start3A_184 = tpu.memref_slice %arg4[%squeeze3A_172, %dma_start3A_183] : memref<1000000x64xf32, #tpu.memory_space<hbm>> -> memref<1x64xf32, #tpu.memory_space<hbm>>
      tpu.enqueue_dma source(%dma_start3A_184 : memref<1x64xf32, #tpu.memory_space<hbm>>) target(%dma_start3A_182 : memref<1x64xf32, #tpu.memory_space<vmem>>) target_semaphore(%arg12 : memref<!tpu.dma_semaphore, #tpu.memory_space<semaphore_mem>>)
      %slice3A_185 = vector.extract_strided_slice %get3A_61 {offsets = [4], sizes = [1], strides = [1]} : vector<16xi32> to vector<1xi32>
      %squeeze3A_186 = vector.extract %slice3A_185[0] : i32 from vector<1xi32>
      %mul3A_187 = arith.constant 16 : i32
      %mul3A_188 = arith.muli %scan3A_47, %mul3A_187 : i32
      %add3A_189 = arith.constant 4 : i32
      %add3A_190 = arith.addi %mul3A_188, %add3A_189 : i32
      %dma_start3A_191 = arith.constant 0 : i32
      %dma_start3A_192 = tpu.memref_slice %arg11[%add3A_190, %dma_start3A_191] : memref<256x64xf32, #tpu.memory_space<vmem>> -> memref<1x64xf32, #tpu.memory_space<vmem>>
      %dma_start3A_193 = arith.constant 0 : i32
      %dma_start3A_194 = tpu.memref_slice %arg5[%squeeze3A_186, %dma_start3A_193] : memref<1000000x64xf32, #tpu.memory_space<hbm>> -> memref<1x64xf32, #tpu.memory_space<hbm>>
      %dma_start3A_195 = arith.constant 0 : i32
      %dma_start3A_196 = tpu.memref_slice %arg11[%add3A_190, %dma_start3A_195] : memref<256x64xf32, #tpu.memory_space<vmem>> -> memref<1x64xf32, #tpu.memory_space<vmem>>
      %dma_start3A_197 = arith.constant 0 : i32
      %dma_start3A_198 = tpu.memref_slice %arg5[%squeeze3A_186, %dma_start3A_197] : memref<1000000x64xf32, #tpu.memory_space<hbm>> -> memref<1x64xf32, #tpu.memory_space<hbm>>
      tpu.enqueue_dma source(%dma_start3A_198 : memref<1x64xf32, #tpu.memory_space<hbm>>) target(%dma_start3A_196 : memref<1x64xf32, #tpu.memory_space<vmem>>) target_semaphore(%arg13 : memref<!tpu.dma_semaphore, #tpu.memory_space<semaphore_mem>>)
      %slice3A_199 = vector.extract_strided_slice %get3A_54 {offsets = [5], sizes = [1], strides = [1]} : vector<16xi32> to vector<1xi32>
      %squeeze3A_200 = vector.extract %slice3A_199[0] : i32 from vector<1xi32>
      %mul3A_201 = arith.constant 16 : i32
      %mul3A_202 = arith.muli %scan3A_47, %mul3A_201 : i32
      %add3A_203 = arith.constant 5 : i32
      %add3A_204 = arith.addi %mul3A_202, %add3A_203 : i32
      %dma_start3A_205 = arith.constant 0 : i32
      %dma_start3A_206 = tpu.memref_slice %arg10[%add3A_204, %dma_start3A_205] : memref<256x64xf32, #tpu.memory_space<vmem>> -> memref<1x64xf32, #tpu.memory_space<vmem>>
      %dma_start3A_207 = arith.constant 0 : i32
      %dma_start3A_208 = tpu.memref_slice %arg4[%squeeze3A_200, %dma_start3A_207] : memref<1000000x64xf32, #tpu.memory_space<hbm>> -> memref<1x64xf32, #tpu.memory_space<hbm>>
      %dma_start3A_209 = arith.constant 0 : i32
      %dma_start3A_210 = tpu.memref_slice %arg10[%add3A_204, %dma_start3A_209] : memref<256x64xf32, #tpu.memory_space<vmem>> -> memref<1x64xf32, #tpu.memory_space<vmem>>
      %dma_start3A_211 = arith.constant 0 : i32
      %dma_start3A_212 = tpu.memref_slice %arg4[%squeeze3A_200, %dma_start3A_211] : memref<1000000x64xf32, #tpu.memory_space<hbm>> -> memref<1x64xf32, #tpu.memory_space<hbm>>
      tpu.enqueue_dma source(%dma_start3A_212 : memref<1x64xf32, #tpu.memory_space<hbm>>) target(%dma_start3A_210 : memref<1x64xf32, #tpu.memory_space<vmem>>) target_semaphore(%arg12 : memref<!tpu.dma_semaphore, #tpu.memory_space<semaphore_mem>>)
      %slice3A_213 = vector.extract_strided_slice %get3A_61 {offsets = [5], sizes = [1], strides = [1]} : vector<16xi32> to vector<1xi32>
      %squeeze3A_214 = vector.extract %slice3A_213[0] : i32 from vector<1xi32>
      %mul3A_215 = arith.constant 16 : i32
      %mul3A_216 = arith.muli %scan3A_47, %mul3A_215 : i32
      %add3A_217 = arith.constant 5 : i32
      %add3A_218 = arith.addi %mul3A_216, %add3A_217 : i32
      %dma_start3A_219 = arith.constant 0 : i32
      %dma_start3A_220 = tpu.memref_slice %arg11[%add3A_218, %dma_start3A_219] : memref<256x64xf32, #tpu.memory_space<vmem>> -> memref<1x64xf32, #tpu.memory_space<vmem>>
      %dma_start3A_221 = arith.constant 0 : i32
      %dma_start3A_222 = tpu.memref_slice %arg5[%squeeze3A_214, %dma_start3A_221] : memref<1000000x64xf32, #tpu.memory_space<hbm>> -> memref<1x64xf32, #tpu.memory_space<hbm>>
      %dma_start3A_223 = arith.constant 0 : i32
      %dma_start3A_224 = tpu.memref_slice %arg11[%add3A_218, %dma_start3A_223] : memref<256x64xf32, #tpu.memory_space<vmem>> -> memref<1x64xf32, #tpu.memory_space<vmem>>
      %dma_start3A_225 = arith.constant 0 : i32
      %dma_start3A_226 = tpu.memref_slice %arg5[%squeeze3A_214, %dma_start3A_225] : memref<1000000x64xf32, #tpu.memory_space<hbm>> -> memref<1x64xf32, #tpu.memory_space<hbm>>
      tpu.enqueue_dma source(%dma_start3A_226 : memref<1x64xf32, #tpu.memory_space<hbm>>) target(%dma_start3A_224 : memref<1x64xf32, #tpu.memory_space<vmem>>) target_semaphore(%arg13 : memref<!tpu.dma_semaphore, #tpu.memory_space<semaphore_mem>>)
      %slice3A_227 = vector.extract_strided_slice %get3A_54 {offsets = [6], sizes = [1], strides = [1]} : vector<16xi32> to vector<1xi32>
      %squeeze3A_228 = vector.extract %slice3A_227[0] : i32 from vector<1xi32>
      %mul3A_229 = arith.constant 16 : i32
      %mul3A_230 = arith.muli %scan3A_47, %mul3A_229 : i32
      %add3A_231 = arith.constant 6 : i32
      %add3A_232 = arith.addi %mul3A_230, %add3A_231 : i32
      %dma_start3A_233 = arith.constant 0 : i32
      %dma_start3A_234 = tpu.memref_slice %arg10[%add3A_232, %dma_start3A_233] : memref<256x64xf32, #tpu.memory_space<vmem>> -> memref<1x64xf32, #tpu.memory_space<vmem>>
      %dma_start3A_235 = arith.constant 0 : i32
      %dma_start3A_236 = tpu.memref_slice %arg4[%squeeze3A_228, %dma_start3A_235] : memref<1000000x64xf32, #tpu.memory_space<hbm>> -> memref<1x64xf32, #tpu.memory_space<hbm>>
      %dma_start3A_237 = arith.constant 0 : i32
      %dma_start3A_238 = tpu.memref_slice %arg10[%add3A_232, %dma_start3A_237] : memref<256x64xf32, #tpu.memory_space<vmem>> -> memref<1x64xf32, #tpu.memory_space<vmem>>
      %dma_start3A_239 = arith.constant 0 : i32
      %dma_start3A_240 = tpu.memref_slice %arg4[%squeeze3A_228, %dma_start3A_239] : memref<1000000x64xf32, #tpu.memory_space<hbm>> -> memref<1x64xf32, #tpu.memory_space<hbm>>
      tpu.enqueue_dma source(%dma_start3A_240 : memref<1x64xf32, #tpu.memory_space<hbm>>) target(%dma_start3A_238 : memref<1x64xf32, #tpu.memory_space<vmem>>) target_semaphore(%arg12 : memref<!tpu.dma_semaphore, #tpu.memory_space<semaphore_mem>>)
      %slice3A_241 = vector.extract_strided_slice %get3A_61 {offsets = [6], sizes = [1], strides = [1]} : vector<16xi32> to vector<1xi32>
      %squeeze3A_242 = vector.extract %slice3A_241[0] : i32 from vector<1xi32>
      %mul3A_243 = arith.constant 16 : i32
      %mul3A_244 = arith.muli %scan3A_47, %mul3A_243 : i32
      %add3A_245 = arith.constant 6 : i32
      %add3A_246 = arith.addi %mul3A_244, %add3A_245 : i32
      %dma_start3A_247 = arith.constant 0 : i32
      %dma_start3A_248 = tpu.memref_slice %arg11[%add3A_246, %dma_start3A_247] : memref<256x64xf32, #tpu.memory_space<vmem>> -> memref<1x64xf32, #tpu.memory_space<vmem>>
      %dma_start3A_249 = arith.constant 0 : i32
      %dma_start3A_250 = tpu.memref_slice %arg5[%squeeze3A_242, %dma_start3A_249] : memref<1000000x64xf32, #tpu.memory_space<hbm>> -> memref<1x64xf32, #tpu.memory_space<hbm>>
      %dma_start3A_251 = arith.constant 0 : i32
      %dma_start3A_252 = tpu.memref_slice %arg11[%add3A_246, %dma_start3A_251] : memref<256x64xf32, #tpu.memory_space<vmem>> -> memref<1x64xf32, #tpu.memory_space<vmem>>
      %dma_start3A_253 = arith.constant 0 : i32
      %dma_start3A_254 = tpu.memref_slice %arg5[%squeeze3A_242, %dma_start3A_253] : memref<1000000x64xf32, #tpu.memory_space<hbm>> -> memref<1x64xf32, #tpu.memory_space<hbm>>
      tpu.enqueue_dma source(%dma_start3A_254 : memref<1x64xf32, #tpu.memory_space<hbm>>) target(%dma_start3A_252 : memref<1x64xf32, #tpu.memory_space<vmem>>) target_semaphore(%arg13 : memref<!tpu.dma_semaphore, #tpu.memory_space<semaphore_mem>>)
      %slice3A_255 = vector.extract_strided_slice %get3A_54 {offsets = [7], sizes = [1], strides = [1]} : vector<16xi32> to vector<1xi32>
      %squeeze3A_256 = vector.extract %slice3A_255[0] : i32 from vector<1xi32>
      %mul3A_257 = arith.constant 16 : i32
      %mul3A_258 = arith.muli %scan3A_47, %mul3A_257 : i32
      %add3A_259 = arith.constant 7 : i32
      %add3A_260 = arith.addi %mul3A_258, %add3A_259 : i32
      %dma_start3A_261 = arith.constant 0 : i32
      %dma_start3A_262 = tpu.memref_slice %arg10[%add3A_260, %dma_start3A_261] : memref<256x64xf32, #tpu.memory_space<vmem>> -> memref<1x64xf32, #tpu.memory_space<vmem>>
      %dma_start3A_263 = arith.constant 0 : i32
      %dma_start3A_264 = tpu.memref_slice %arg4[%squeeze3A_256, %dma_start3A_263] : memref<1000000x64xf32, #tpu.memory_space<hbm>> -> memref<1x64xf32, #tpu.memory_space<hbm>>
      %dma_start3A_265 = arith.constant 0 : i32
      %dma_start3A_266 = tpu.memref_slice %arg10[%add3A_260, %dma_start3A_265] : memref<256x64xf32, #tpu.memory_space<vmem>> -> memref<1x64xf32, #tpu.memory_space<vmem>>
      %dma_start3A_267 = arith.constant 0 : i32
      %dma_start3A_268 = tpu.memref_slice %arg4[%squeeze3A_256, %dma_start3A_267] : memref<1000000x64xf32, #tpu.memory_space<hbm>> -> memref<1x64xf32, #tpu.memory_space<hbm>>
      tpu.enqueue_dma source(%dma_start3A_268 : memref<1x64xf32, #tpu.memory_space<hbm>>) target(%dma_start3A_266 : memref<1x64xf32, #tpu.memory_space<vmem>>) target_semaphore(%arg12 : memref<!tpu.dma_semaphore, #tpu.memory_space<semaphore_mem>>)
      %slice3A_269 = vector.extract_strided_slice %get3A_61 {offsets = [7], sizes = [1], strides = [1]} : vector<16xi32> to vector<1xi32>
      %squeeze3A_270 = vector.extract %slice3A_269[0] : i32 from vector<1xi32>
      %mul3A_271 = arith.constant 16 : i32
      %mul3A_272 = arith.muli %scan3A_47, %mul3A_271 : i32
      %add3A_273 = arith.constant 7 : i32
      %add3A_274 = arith.addi %mul3A_272, %add3A_273 : i32
      %dma_start3A_275 = arith.constant 0 : i32
      %dma_start3A_276 = tpu.memref_slice %arg11[%add3A_274, %dma_start3A_275] : memref<256x64xf32, #tpu.memory_space<vmem>> -> memref<1x64xf32, #tpu.memory_space<vmem>>
      %dma_start3A_277 = arith.constant 0 : i32
      %dma_start3A_278 = tpu.memref_slice %arg5[%squeeze3A_270, %dma_start3A_277] : memref<1000000x64xf32, #tpu.memory_space<hbm>> -> memref<1x64xf32, #tpu.memory_space<hbm>>
      %dma_start3A_279 = arith.constant 0 : i32
      %dma_start3A_280 = tpu.memref_slice %arg11[%add3A_274, %dma_start3A_279] : memref<256x64xf32, #tpu.memory_space<vmem>> -> memref<1x64xf32, #tpu.memory_space<vmem>>
      %dma_start3A_281 = arith.constant 0 : i32
      %dma_start3A_282 = tpu.memref_slice %arg5[%squeeze3A_270, %dma_start3A_281] : memref<1000000x64xf32, #tpu.memory_space<hbm>> -> memref<1x64xf32, #tpu.memory_space<hbm>>
      tpu.enqueue_dma source(%dma_start3A_282 : memref<1x64xf32, #tpu.memory_space<hbm>>) target(%dma_start3A_280 : memref<1x64xf32, #tpu.memory_space<vmem>>) target_semaphore(%arg13 : memref<!tpu.dma_semaphore, #tpu.memory_space<semaphore_mem>>)
      %slice3A_283 = vector.extract_strided_slice %get3A_54 {offsets = [8], sizes = [1], strides = [1]} : vector<16xi32> to vector<1xi32>
      %squeeze3A_284 = vector.extract %slice3A_283[0] : i32 from vector<1xi32>
      %mul3A_285 = arith.constant 16 : i32
      %mul3A_286 = arith.muli %scan3A_47, %mul3A_285 : i32
      %add3A_287 = arith.constant 8 : i32
      %add3A_288 = arith.addi %mul3A_286, %add3A_287 : i32
      %dma_start3A_289 = arith.constant 0 : i32
      %dma_start3A_290 = tpu.memref_slice %arg10[%add3A_288, %dma_start3A_289] : memref<256x64xf32, #tpu.memory_space<vmem>> -> memref<1x64xf32, #tpu.memory_space<vmem>>
      %dma_start3A_291 = arith.constant 0 : i32
      %dma_start3A_292 = tpu.memref_slice %arg4[%squeeze3A_284, %dma_start3A_291] : memref<1000000x64xf32, #tpu.memory_space<hbm>> -> memref<1x64xf32, #tpu.memory_space<hbm>>
      %dma_start3A_293 = arith.constant 0 : i32
      %dma_start3A_294 = tpu.memref_slice %arg10[%add3A_288, %dma_start3A_293] : memref<256x64xf32, #tpu.memory_space<vmem>> -> memref<1x64xf32, #tpu.memory_space<vmem>>
      %dma_start3A_295 = arith.constant 0 : i32
      %dma_start3A_296 = tpu.memref_slice %arg4[%squeeze3A_284, %dma_start3A_295] : memref<1000000x64xf32, #tpu.memory_space<hbm>> -> memref<1x64xf32, #tpu.memory_space<hbm>>
      tpu.enqueue_dma source(%dma_start3A_296 : memref<1x64xf32, #tpu.memory_space<hbm>>) target(%dma_start3A_294 : memref<1x64xf32, #tpu.memory_space<vmem>>) target_semaphore(%arg12 : memref<!tpu.dma_semaphore, #tpu.memory_space<semaphore_mem>>)
      %slice3A_297 = vector.extract_strided_slice %get3A_61 {offsets = [8], sizes = [1], strides = [1]} : vector<16xi32> to vector<1xi32>
      %squeeze3A_298 = vector.extract %slice3A_297[0] : i32 from vector<1xi32>
      %mul3A_299 = arith.constant 16 : i32
      %mul3A_300 = arith.muli %scan3A_47, %mul3A_299 : i32
      %add3A_301 = arith.constant 8 : i32
      %add3A_302 = arith.addi %mul3A_300, %add3A_301 : i32
      %dma_start3A_303 = arith.constant 0 : i32
      %dma_start3A_304 = tpu.memref_slice %arg11[%add3A_302, %dma_start3A_303] : memref<256x64xf32, #tpu.memory_space<vmem>> -> memref<1x64xf32, #tpu.memory_space<vmem>>
      %dma_start3A_305 = arith.constant 0 : i32
      %dma_start3A_306 = tpu.memref_slice %arg5[%squeeze3A_298, %dma_start3A_305] : memref<1000000x64xf32, #tpu.memory_space<hbm>> -> memref<1x64xf32, #tpu.memory_space<hbm>>
      %dma_start3A_307 = arith.constant 0 : i32
      %dma_start3A_308 = tpu.memref_slice %arg11[%add3A_302, %dma_start3A_307] : memref<256x64xf32, #tpu.memory_space<vmem>> -> memref<1x64xf32, #tpu.memory_space<vmem>>
      %dma_start3A_309 = arith.constant 0 : i32
      %dma_start3A_310 = tpu.memref_slice %arg5[%squeeze3A_298, %dma_start3A_309] : memref<1000000x64xf32, #tpu.memory_space<hbm>> -> memref<1x64xf32, #tpu.memory_space<hbm>>
      tpu.enqueue_dma source(%dma_start3A_310 : memref<1x64xf32, #tpu.memory_space<hbm>>) target(%dma_start3A_308 : memref<1x64xf32, #tpu.memory_space<vmem>>) target_semaphore(%arg13 : memref<!tpu.dma_semaphore, #tpu.memory_space<semaphore_mem>>)
      %slice3A_311 = vector.extract_strided_slice %get3A_54 {offsets = [9], sizes = [1], strides = [1]} : vector<16xi32> to vector<1xi32>
      %squeeze3A_312 = vector.extract %slice3A_311[0] : i32 from vector<1xi32>
      %mul3A_313 = arith.constant 16 : i32
      %mul3A_314 = arith.muli %scan3A_47, %mul3A_313 : i32
      %add3A_315 = arith.constant 9 : i32
      %add3A_316 = arith.addi %mul3A_314, %add3A_315 : i32
      %dma_start3A_317 = arith.constant 0 : i32
      %dma_start3A_318 = tpu.memref_slice %arg10[%add3A_316, %dma_start3A_317] : memref<256x64xf32, #tpu.memory_space<vmem>> -> memref<1x64xf32, #tpu.memory_space<vmem>>
      %dma_start3A_319 = arith.constant 0 : i32
      %dma_start3A_320 = tpu.memref_slice %arg4[%squeeze3A_312, %dma_start3A_319] : memref<1000000x64xf32, #tpu.memory_space<hbm>> -> memref<1x64xf32, #tpu.memory_space<hbm>>
      %dma_start3A_321 = arith.constant 0 : i32
      %dma_start3A_322 = tpu.memref_slice %arg10[%add3A_316, %dma_start3A_321] : memref<256x64xf32, #tpu.memory_space<vmem>> -> memref<1x64xf32, #tpu.memory_space<vmem>>
      %dma_start3A_323 = arith.constant 0 : i32
      %dma_start3A_324 = tpu.memref_slice %arg4[%squeeze3A_312, %dma_start3A_323] : memref<1000000x64xf32, #tpu.memory_space<hbm>> -> memref<1x64xf32, #tpu.memory_space<hbm>>
      tpu.enqueue_dma source(%dma_start3A_324 : memref<1x64xf32, #tpu.memory_space<hbm>>) target(%dma_start3A_322 : memref<1x64xf32, #tpu.memory_space<vmem>>) target_semaphore(%arg12 : memref<!tpu.dma_semaphore, #tpu.memory_space<semaphore_mem>>)
      %slice3A_325 = vector.extract_strided_slice %get3A_61 {offsets = [9], sizes = [1], strides = [1]} : vector<16xi32> to vector<1xi32>
      %squeeze3A_326 = vector.extract %slice3A_325[0] : i32 from vector<1xi32>
      %mul3A_327 = arith.constant 16 : i32
      %mul3A_328 = arith.muli %scan3A_47, %mul3A_327 : i32
      %add3A_329 = arith.constant 9 : i32
      %add3A_330 = arith.addi %mul3A_328, %add3A_329 : i32
      %dma_start3A_331 = arith.constant 0 : i32
      %dma_start3A_332 = tpu.memref_slice %arg11[%add3A_330, %dma_start3A_331] : memref<256x64xf32, #tpu.memory_space<vmem>> -> memref<1x64xf32, #tpu.memory_space<vmem>>
      %dma_start3A_333 = arith.constant 0 : i32
      %dma_start3A_334 = tpu.memref_slice %arg5[%squeeze3A_326, %dma_start3A_333] : memref<1000000x64xf32, #tpu.memory_space<hbm>> -> memref<1x64xf32, #tpu.memory_space<hbm>>
      %dma_start3A_335 = arith.constant 0 : i32
      %dma_start3A_336 = tpu.memref_slice %arg11[%add3A_330, %dma_start3A_335] : memref<256x64xf32, #tpu.memory_space<vmem>> -> memref<1x64xf32, #tpu.memory_space<vmem>>
      %dma_start3A_337 = arith.constant 0 : i32
      %dma_start3A_338 = tpu.memref_slice %arg5[%squeeze3A_326, %dma_start3A_337] : memref<1000000x64xf32, #tpu.memory_space<hbm>> -> memref<1x64xf32, #tpu.memory_space<hbm>>
      tpu.enqueue_dma source(%dma_start3A_338 : memref<1x64xf32, #tpu.memory_space<hbm>>) target(%dma_start3A_336 : memref<1x64xf32, #tpu.memory_space<vmem>>) target_semaphore(%arg13 : memref<!tpu.dma_semaphore, #tpu.memory_space<semaphore_mem>>)
      %slice3A_339 = vector.extract_strided_slice %get3A_54 {offsets = [10], sizes = [1], strides = [1]} : vector<16xi32> to vector<1xi32>
      %squeeze3A_340 = vector.extract %slice3A_339[0] : i32 from vector<1xi32>
      %mul3A_341 = arith.constant 16 : i32
      %mul3A_342 = arith.muli %scan3A_47, %mul3A_341 : i32
      %add3A_343 = arith.constant 10 : i32
      %add3A_344 = arith.addi %mul3A_342, %add3A_343 : i32
      %dma_start3A_345 = arith.constant 0 : i32
      %dma_start3A_346 = tpu.memref_slice %arg10[%add3A_344, %dma_start3A_345] : memref<256x64xf32, #tpu.memory_space<vmem>> -> memref<1x64xf32, #tpu.memory_space<vmem>>
      %dma_start3A_347 = arith.constant 0 : i32
      %dma_start3A_348 = tpu.memref_slice %arg4[%squeeze3A_340, %dma_start3A_347] : memref<1000000x64xf32, #tpu.memory_space<hbm>> -> memref<1x64xf32, #tpu.memory_space<hbm>>
      %dma_start3A_349 = arith.constant 0 : i32
      %dma_start3A_350 = tpu.memref_slice %arg10[%add3A_344, %dma_start3A_349] : memref<256x64xf32, #tpu.memory_space<vmem>> -> memref<1x64xf32, #tpu.memory_space<vmem>>
      %dma_start3A_351 = arith.constant 0 : i32
      %dma_start3A_352 = tpu.memref_slice %arg4[%squeeze3A_340, %dma_start3A_351] : memref<1000000x64xf32, #tpu.memory_space<hbm>> -> memref<1x64xf32, #tpu.memory_space<hbm>>
      tpu.enqueue_dma source(%dma_start3A_352 : memref<1x64xf32, #tpu.memory_space<hbm>>) target(%dma_start3A_350 : memref<1x64xf32, #tpu.memory_space<vmem>>) target_semaphore(%arg12 : memref<!tpu.dma_semaphore, #tpu.memory_space<semaphore_mem>>)
      %slice3A_353 = vector.extract_strided_slice %get3A_61 {offsets = [10], sizes = [1], strides = [1]} : vector<16xi32> to vector<1xi32>
      %squeeze3A_354 = vector.extract %slice3A_353[0] : i32 from vector<1xi32>
      %mul3A_355 = arith.constant 16 : i32
      %mul3A_356 = arith.muli %scan3A_47, %mul3A_355 : i32
      %add3A_357 = arith.constant 10 : i32
      %add3A_358 = arith.addi %mul3A_356, %add3A_357 : i32
      %dma_start3A_359 = arith.constant 0 : i32
      %dma_start3A_360 = tpu.memref_slice %arg11[%add3A_358, %dma_start3A_359] : memref<256x64xf32, #tpu.memory_space<vmem>> -> memref<1x64xf32, #tpu.memory_space<vmem>>
      %dma_start3A_361 = arith.constant 0 : i32
      %dma_start3A_362 = tpu.memref_slice %arg5[%squeeze3A_354, %dma_start3A_361] : memref<1000000x64xf32, #tpu.memory_space<hbm>> -> memref<1x64xf32, #tpu.memory_space<hbm>>
      %dma_start3A_363 = arith.constant 0 : i32
      %dma_start3A_364 = tpu.memref_slice %arg11[%add3A_358, %dma_start3A_363] : memref<256x64xf32, #tpu.memory_space<vmem>> -> memref<1x64xf32, #tpu.memory_space<vmem>>
      %dma_start3A_365 = arith.constant 0 : i32
      %dma_start3A_366 = tpu.memref_slice %arg5[%squeeze3A_354, %dma_start3A_365] : memref<1000000x64xf32, #tpu.memory_space<hbm>> -> memref<1x64xf32, #tpu.memory_space<hbm>>
      tpu.enqueue_dma source(%dma_start3A_366 : memref<1x64xf32, #tpu.memory_space<hbm>>) target(%dma_start3A_364 : memref<1x64xf32, #tpu.memory_space<vmem>>) target_semaphore(%arg13 : memref<!tpu.dma_semaphore, #tpu.memory_space<semaphore_mem>>)
      %slice3A_367 = vector.extract_strided_slice %get3A_54 {offsets = [11], sizes = [1], strides = [1]} : vector<16xi32> to vector<1xi32>
      %squeeze3A_368 = vector.extract %slice3A_367[0] : i32 from vector<1xi32>
      %mul3A_369 = arith.constant 16 : i32
      %mul3A_370 = arith.muli %scan3A_47, %mul3A_369 : i32
      %add3A_371 = arith.constant 11 : i32
      %add3A_372 = arith.addi %mul3A_370, %add3A_371 : i32
      %dma_start3A_373 = arith.constant 0 : i32
      %dma_start3A_374 = tpu.memref_slice %arg10[%add3A_372, %dma_start3A_373] : memref<256x64xf32, #tpu.memory_space<vmem>> -> memref<1x64xf32, #tpu.memory_space<vmem>>
      %dma_start3A_375 = arith.constant 0 : i32
      %dma_start3A_376 = tpu.memref_slice %arg4[%squeeze3A_368, %dma_start3A_375] : memref<1000000x64xf32, #tpu.memory_space<hbm>> -> memref<1x64xf32, #tpu.memory_space<hbm>>
      %dma_start3A_377 = arith.constant 0 : i32
      %dma_start3A_378 = tpu.memref_slice %arg10[%add3A_372, %dma_start3A_377] : memref<256x64xf32, #tpu.memory_space<vmem>> -> memref<1x64xf32, #tpu.memory_space<vmem>>
      %dma_start3A_379 = arith.constant 0 : i32
      %dma_start3A_380 = tpu.memref_slice %arg4[%squeeze3A_368, %dma_start3A_379] : memref<1000000x64xf32, #tpu.memory_space<hbm>> -> memref<1x64xf32, #tpu.memory_space<hbm>>
      tpu.enqueue_dma source(%dma_start3A_380 : memref<1x64xf32, #tpu.memory_space<hbm>>) target(%dma_start3A_378 : memref<1x64xf32, #tpu.memory_space<vmem>>) target_semaphore(%arg12 : memref<!tpu.dma_semaphore, #tpu.memory_space<semaphore_mem>>)
      %slice3A_381 = vector.extract_strided_slice %get3A_61 {offsets = [11], sizes = [1], strides = [1]} : vector<16xi32> to vector<1xi32>
      %squeeze3A_382 = vector.extract %slice3A_381[0] : i32 from vector<1xi32>
      %mul3A_383 = arith.constant 16 : i32
      %mul3A_384 = arith.muli %scan3A_47, %mul3A_383 : i32
      %add3A_385 = arith.constant 11 : i32
      %add3A_386 = arith.addi %mul3A_384, %add3A_385 : i32
      %dma_start3A_387 = arith.constant 0 : i32
      %dma_start3A_388 = tpu.memref_slice %arg11[%add3A_386, %dma_start3A_387] : memref<256x64xf32, #tpu.memory_space<vmem>> -> memref<1x64xf32, #tpu.memory_space<vmem>>
      %dma_start3A_389 = arith.constant 0 : i32
      %dma_start3A_390 = tpu.memref_slice %arg5[%squeeze3A_382, %dma_start3A_389] : memref<1000000x64xf32, #tpu.memory_space<hbm>> -> memref<1x64xf32, #tpu.memory_space<hbm>>
      %dma_start3A_391 = arith.constant 0 : i32
      %dma_start3A_392 = tpu.memref_slice %arg11[%add3A_386, %dma_start3A_391] : memref<256x64xf32, #tpu.memory_space<vmem>> -> memref<1x64xf32, #tpu.memory_space<vmem>>
      %dma_start3A_393 = arith.constant 0 : i32
      %dma_start3A_394 = tpu.memref_slice %arg5[%squeeze3A_382, %dma_start3A_393] : memref<1000000x64xf32, #tpu.memory_space<hbm>> -> memref<1x64xf32, #tpu.memory_space<hbm>>
      tpu.enqueue_dma source(%dma_start3A_394 : memref<1x64xf32, #tpu.memory_space<hbm>>) target(%dma_start3A_392 : memref<1x64xf32, #tpu.memory_space<vmem>>) target_semaphore(%arg13 : memref<!tpu.dma_semaphore, #tpu.memory_space<semaphore_mem>>)
      %slice3A_395 = vector.extract_strided_slice %get3A_54 {offsets = [12], sizes = [1], strides = [1]} : vector<16xi32> to vector<1xi32>
      %squeeze3A_396 = vector.extract %slice3A_395[0] : i32 from vector<1xi32>
      %mul3A_397 = arith.constant 16 : i32
      %mul3A_398 = arith.muli %scan3A_47, %mul3A_397 : i32
      %add3A_399 = arith.constant 12 : i32
      %add3A_400 = arith.addi %mul3A_398, %add3A_399 : i32
      %dma_start3A_401 = arith.constant 0 : i32
      %dma_start3A_402 = tpu.memref_slice %arg10[%add3A_400, %dma_start3A_401] : memref<256x64xf32, #tpu.memory_space<vmem>> -> memref<1x64xf32, #tpu.memory_space<vmem>>
      %dma_start3A_403 = arith.constant 0 : i32
      %dma_start3A_404 = tpu.memref_slice %arg4[%squeeze3A_396, %dma_start3A_403] : memref<1000000x64xf32, #tpu.memory_space<hbm>> -> memref<1x64xf32, #tpu.memory_space<hbm>>
      %dma_start3A_405 = arith.constant 0 : i32
      %dma_start3A_406 = tpu.memref_slice %arg10[%add3A_400, %dma_start3A_405] : memref<256x64xf32, #tpu.memory_space<vmem>> -> memref<1x64xf32, #tpu.memory_space<vmem>>
      %dma_start3A_407 = arith.constant 0 : i32
      %dma_start3A_408 = tpu.memref_slice %arg4[%squeeze3A_396, %dma_start3A_407] : memref<1000000x64xf32, #tpu.memory_space<hbm>> -> memref<1x64xf32, #tpu.memory_space<hbm>>
      tpu.enqueue_dma source(%dma_start3A_408 : memref<1x64xf32, #tpu.memory_space<hbm>>) target(%dma_start3A_406 : memref<1x64xf32, #tpu.memory_space<vmem>>) target_semaphore(%arg12 : memref<!tpu.dma_semaphore, #tpu.memory_space<semaphore_mem>>)
      %slice3A_409 = vector.extract_strided_slice %get3A_61 {offsets = [12], sizes = [1], strides = [1]} : vector<16xi32> to vector<1xi32>
      %squeeze3A_410 = vector.extract %slice3A_409[0] : i32 from vector<1xi32>
      %mul3A_411 = arith.constant 16 : i32
      %mul3A_412 = arith.muli %scan3A_47, %mul3A_411 : i32
      %add3A_413 = arith.constant 12 : i32
      %add3A_414 = arith.addi %mul3A_412, %add3A_413 : i32
      %dma_start3A_415 = arith.constant 0 : i32
      %dma_start3A_416 = tpu.memref_slice %arg11[%add3A_414, %dma_start3A_415] : memref<256x64xf32, #tpu.memory_space<vmem>> -> memref<1x64xf32, #tpu.memory_space<vmem>>
      %dma_start3A_417 = arith.constant 0 : i32
      %dma_start3A_418 = tpu.memref_slice %arg5[%squeeze3A_410, %dma_start3A_417] : memref<1000000x64xf32, #tpu.memory_space<hbm>> -> memref<1x64xf32, #tpu.memory_space<hbm>>
      %dma_start3A_419 = arith.constant 0 : i32
      %dma_start3A_420 = tpu.memref_slice %arg11[%add3A_414, %dma_start3A_419] : memref<256x64xf32, #tpu.memory_space<vmem>> -> memref<1x64xf32, #tpu.memory_space<vmem>>
      %dma_start3A_421 = arith.constant 0 : i32
      %dma_start3A_422 = tpu.memref_slice %arg5[%squeeze3A_410, %dma_start3A_421] : memref<1000000x64xf32, #tpu.memory_space<hbm>> -> memref<1x64xf32, #tpu.memory_space<hbm>>
      tpu.enqueue_dma source(%dma_start3A_422 : memref<1x64xf32, #tpu.memory_space<hbm>>) target(%dma_start3A_420 : memref<1x64xf32, #tpu.memory_space<vmem>>) target_semaphore(%arg13 : memref<!tpu.dma_semaphore, #tpu.memory_space<semaphore_mem>>)
      %slice3A_423 = vector.extract_strided_slice %get3A_54 {offsets = [13], sizes = [1], strides = [1]} : vector<16xi32> to vector<1xi32>
      %squeeze3A_424 = vector.extract %slice3A_423[0] : i32 from vector<1xi32>
      %mul3A_425 = arith.constant 16 : i32
      %mul3A_426 = arith.muli %scan3A_47, %mul3A_425 : i32
      %add3A_427 = arith.constant 13 : i32
      %add3A_428 = arith.addi %mul3A_426, %add3A_427 : i32
      %dma_start3A_429 = arith.constant 0 : i32
      %dma_start3A_430 = tpu.memref_slice %arg10[%add3A_428, %dma_start3A_429] : memref<256x64xf32, #tpu.memory_space<vmem>> -> memref<1x64xf32, #tpu.memory_space<vmem>>
      %dma_start3A_431 = arith.constant 0 : i32
      %dma_start3A_432 = tpu.memref_slice %arg4[%squeeze3A_424, %dma_start3A_431] : memref<1000000x64xf32, #tpu.memory_space<hbm>> -> memref<1x64xf32, #tpu.memory_space<hbm>>
      %dma_start3A_433 = arith.constant 0 : i32
      %dma_start3A_434 = tpu.memref_slice %arg10[%add3A_428, %dma_start3A_433] : memref<256x64xf32, #tpu.memory_space<vmem>> -> memref<1x64xf32, #tpu.memory_space<vmem>>
      %dma_start3A_435 = arith.constant 0 : i32
      %dma_start3A_436 = tpu.memref_slice %arg4[%squeeze3A_424, %dma_start3A_435] : memref<1000000x64xf32, #tpu.memory_space<hbm>> -> memref<1x64xf32, #tpu.memory_space<hbm>>
      tpu.enqueue_dma source(%dma_start3A_436 : memref<1x64xf32, #tpu.memory_space<hbm>>) target(%dma_start3A_434 : memref<1x64xf32, #tpu.memory_space<vmem>>) target_semaphore(%arg12 : memref<!tpu.dma_semaphore, #tpu.memory_space<semaphore_mem>>)
      %slice3A_437 = vector.extract_strided_slice %get3A_61 {offsets = [13], sizes = [1], strides = [1]} : vector<16xi32> to vector<1xi32>
      %squeeze3A_438 = vector.extract %slice3A_437[0] : i32 from vector<1xi32>
      %mul3A_439 = arith.constant 16 : i32
      %mul3A_440 = arith.muli %scan3A_47, %mul3A_439 : i32
      %add3A_441 = arith.constant 13 : i32
      %add3A_442 = arith.addi %mul3A_440, %add3A_441 : i32
      %dma_start3A_443 = arith.constant 0 : i32
      %dma_start3A_444 = tpu.memref_slice %arg11[%add3A_442, %dma_start3A_443] : memref<256x64xf32, #tpu.memory_space<vmem>> -> memref<1x64xf32, #tpu.memory_space<vmem>>
      %dma_start3A_445 = arith.constant 0 : i32
      %dma_start3A_446 = tpu.memref_slice %arg5[%squeeze3A_438, %dma_start3A_445] : memref<1000000x64xf32, #tpu.memory_space<hbm>> -> memref<1x64xf32, #tpu.memory_space<hbm>>
      %dma_start3A_447 = arith.constant 0 : i32
      %dma_start3A_448 = tpu.memref_slice %arg11[%add3A_442, %dma_start3A_447] : memref<256x64xf32, #tpu.memory_space<vmem>> -> memref<1x64xf32, #tpu.memory_space<vmem>>
      %dma_start3A_449 = arith.constant 0 : i32
      %dma_start3A_450 = tpu.memref_slice %arg5[%squeeze3A_438, %dma_start3A_449] : memref<1000000x64xf32, #tpu.memory_space<hbm>> -> memref<1x64xf32, #tpu.memory_space<hbm>>
      tpu.enqueue_dma source(%dma_start3A_450 : memref<1x64xf32, #tpu.memory_space<hbm>>) target(%dma_start3A_448 : memref<1x64xf32, #tpu.memory_space<vmem>>) target_semaphore(%arg13 : memref<!tpu.dma_semaphore, #tpu.memory_space<semaphore_mem>>)
      %slice3A_451 = vector.extract_strided_slice %get3A_54 {offsets = [14], sizes = [1], strides = [1]} : vector<16xi32> to vector<1xi32>
      %squeeze3A_452 = vector.extract %slice3A_451[0] : i32 from vector<1xi32>
      %mul3A_453 = arith.constant 16 : i32
      %mul3A_454 = arith.muli %scan3A_47, %mul3A_453 : i32
      %add3A_455 = arith.constant 14 : i32
      %add3A_456 = arith.addi %mul3A_454, %add3A_455 : i32
      %dma_start3A_457 = arith.constant 0 : i32
      %dma_start3A_458 = tpu.memref_slice %arg10[%add3A_456, %dma_start3A_457] : memref<256x64xf32, #tpu.memory_space<vmem>> -> memref<1x64xf32, #tpu.memory_space<vmem>>
      %dma_start3A_459 = arith.constant 0 : i32
      %dma_start3A_460 = tpu.memref_slice %arg4[%squeeze3A_452, %dma_start3A_459] : memref<1000000x64xf32, #tpu.memory_space<hbm>> -> memref<1x64xf32, #tpu.memory_space<hbm>>
      %dma_start3A_461 = arith.constant 0 : i32
      %dma_start3A_462 = tpu.memref_slice %arg10[%add3A_456, %dma_start3A_461] : memref<256x64xf32, #tpu.memory_space<vmem>> -> memref<1x64xf32, #tpu.memory_space<vmem>>
      %dma_start3A_463 = arith.constant 0 : i32
      %dma_start3A_464 = tpu.memref_slice %arg4[%squeeze3A_452, %dma_start3A_463] : memref<1000000x64xf32, #tpu.memory_space<hbm>> -> memref<1x64xf32, #tpu.memory_space<hbm>>
      tpu.enqueue_dma source(%dma_start3A_464 : memref<1x64xf32, #tpu.memory_space<hbm>>) target(%dma_start3A_462 : memref<1x64xf32, #tpu.memory_space<vmem>>) target_semaphore(%arg12 : memref<!tpu.dma_semaphore, #tpu.memory_space<semaphore_mem>>)
      %slice3A_465 = vector.extract_strided_slice %get3A_61 {offsets = [14], sizes = [1], strides = [1]} : vector<16xi32> to vector<1xi32>
      %squeeze3A_466 = vector.extract %slice3A_465[0] : i32 from vector<1xi32>
      %mul3A_467 = arith.constant 16 : i32
      %mul3A_468 = arith.muli %scan3A_47, %mul3A_467 : i32
      %add3A_469 = arith.constant 14 : i32
      %add3A_470 = arith.addi %mul3A_468, %add3A_469 : i32
      %dma_start3A_471 = arith.constant 0 : i32
      %dma_start3A_472 = tpu.memref_slice %arg11[%add3A_470, %dma_start3A_471] : memref<256x64xf32, #tpu.memory_space<vmem>> -> memref<1x64xf32, #tpu.memory_space<vmem>>
      %dma_start3A_473 = arith.constant 0 : i32
      %dma_start3A_474 = tpu.memref_slice %arg5[%squeeze3A_466, %dma_start3A_473] : memref<1000000x64xf32, #tpu.memory_space<hbm>> -> memref<1x64xf32, #tpu.memory_space<hbm>>
      %dma_start3A_475 = arith.constant 0 : i32
      %dma_start3A_476 = tpu.memref_slice %arg11[%add3A_470, %dma_start3A_475] : memref<256x64xf32, #tpu.memory_space<vmem>> -> memref<1x64xf32, #tpu.memory_space<vmem>>
      %dma_start3A_477 = arith.constant 0 : i32
      %dma_start3A_478 = tpu.memref_slice %arg5[%squeeze3A_466, %dma_start3A_477] : memref<1000000x64xf32, #tpu.memory_space<hbm>> -> memref<1x64xf32, #tpu.memory_space<hbm>>
      tpu.enqueue_dma source(%dma_start3A_478 : memref<1x64xf32, #tpu.memory_space<hbm>>) target(%dma_start3A_476 : memref<1x64xf32, #tpu.memory_space<vmem>>) target_semaphore(%arg13 : memref<!tpu.dma_semaphore, #tpu.memory_space<semaphore_mem>>)
      %slice3A_479 = vector.extract_strided_slice %get3A_54 {offsets = [15], sizes = [1], strides = [1]} : vector<16xi32> to vector<1xi32>
      %squeeze3A_480 = vector.extract %slice3A_479[0] : i32 from vector<1xi32>
      %mul3A_481 = arith.constant 16 : i32
      %mul3A_482 = arith.muli %scan3A_47, %mul3A_481 : i32
      %add3A_483 = arith.constant 15 : i32
      %add3A_484 = arith.addi %mul3A_482, %add3A_483 : i32
      %dma_start3A_485 = arith.constant 0 : i32
      %dma_start3A_486 = tpu.memref_slice %arg10[%add3A_484, %dma_start3A_485] : memref<256x64xf32, #tpu.memory_space<vmem>> -> memref<1x64xf32, #tpu.memory_space<vmem>>
      %dma_start3A_487 = arith.constant 0 : i32
      %dma_start3A_488 = tpu.memref_slice %arg4[%squeeze3A_480, %dma_start3A_487] : memref<1000000x64xf32, #tpu.memory_space<hbm>> -> memref<1x64xf32, #tpu.memory_space<hbm>>
      %dma_start3A_489 = arith.constant 0 : i32
      %dma_start3A_490 = tpu.memref_slice %arg10[%add3A_484, %dma_start3A_489] : memref<256x64xf32, #tpu.memory_space<vmem>> -> memref<1x64xf32, #tpu.memory_space<vmem>>
      %dma_start3A_491 = arith.constant 0 : i32
      %dma_start3A_492 = tpu.memref_slice %arg4[%squeeze3A_480, %dma_start3A_491] : memref<1000000x64xf32, #tpu.memory_space<hbm>> -> memref<1x64xf32, #tpu.memory_space<hbm>>
      tpu.enqueue_dma source(%dma_start3A_492 : memref<1x64xf32, #tpu.memory_space<hbm>>) target(%dma_start3A_490 : memref<1x64xf32, #tpu.memory_space<vmem>>) target_semaphore(%arg12 : memref<!tpu.dma_semaphore, #tpu.memory_space<semaphore_mem>>)
      %slice3A_493 = vector.extract_strided_slice %get3A_61 {offsets = [15], sizes = [1], strides = [1]} : vector<16xi32> to vector<1xi32>
      %squeeze3A_494 = vector.extract %slice3A_493[0] : i32 from vector<1xi32>
      %mul3A_495 = arith.constant 16 : i32
      %mul3A_496 = arith.muli %scan3A_47, %mul3A_495 : i32
      %add3A_497 = arith.constant 15 : i32
      %add3A_498 = arith.addi %mul3A_496, %add3A_497 : i32
      %dma_start3A_499 = arith.constant 0 : i32
      %dma_start3A_500 = tpu.memref_slice %arg11[%add3A_498, %dma_start3A_499] : memref<256x64xf32, #tpu.memory_space<vmem>> -> memref<1x64xf32, #tpu.memory_space<vmem>>
      %dma_start3A_501 = arith.constant 0 : i32
      %dma_start3A_502 = tpu.memref_slice %arg5[%squeeze3A_494, %dma_start3A_501] : memref<1000000x64xf32, #tpu.memory_space<hbm>> -> memref<1x64xf32, #tpu.memory_space<hbm>>
      %dma_start3A_503 = arith.constant 0 : i32
      %dma_start3A_504 = tpu.memref_slice %arg11[%add3A_498, %dma_start3A_503] : memref<256x64xf32, #tpu.memory_space<vmem>> -> memref<1x64xf32, #tpu.memory_space<vmem>>
      %dma_start3A_505 = arith.constant 0 : i32
      %dma_start3A_506 = tpu.memref_slice %arg5[%squeeze3A_494, %dma_start3A_505] : memref<1000000x64xf32, #tpu.memory_space<hbm>> -> memref<1x64xf32, #tpu.memory_space<hbm>>
      tpu.enqueue_dma source(%dma_start3A_506 : memref<1x64xf32, #tpu.memory_space<hbm>>) target(%dma_start3A_504 : memref<1x64xf32, #tpu.memory_space<vmem>>) target_semaphore(%arg13 : memref<!tpu.dma_semaphore, #tpu.memory_space<semaphore_mem>>)
      %scan3A_507 = arith.constant 0 : i32
      scf.yield %scan3A_507 : i32
    }
    %scan3A_8 = arith.constant 16 : i32
    %dma_wait3A = arith.constant 0 : i32
    %dma_wait3A_9 = arith.constant 0 : i32
    %dma_wait3A_10 = tpu.memref_slice %arg4[%dma_wait3A, %dma_wait3A_9] : memref<1000000x64xf32, #tpu.memory_space<hbm>> -> memref<256x64xf32, #tpu.memory_space<hbm>>
    %dma_wait3A_11 = arith.constant 0 : i32
    %dma_wait3A_12 = arith.constant 0 : i32
    %dma_wait3A_13 = tpu.memref_slice %arg4[%dma_wait3A_11, %dma_wait3A_12] : memref<1000000x64xf32, #tpu.memory_space<hbm>> -> memref<256x64xf32, #tpu.memory_space<hbm>>
    tpu.wait_dma2 semaphore(%arg12 : memref<!tpu.dma_semaphore, #tpu.memory_space<semaphore_mem>>) src(%dma_wait3A_13 : memref<256x64xf32, #tpu.memory_space<hbm>>) dst(%arg10 : memref<256x64xf32, #tpu.memory_space<vmem>>)
    %dma_wait3A_14 = arith.constant 0 : i32
    %dma_wait3A_15 = arith.constant 0 : i32
    %dma_wait3A_16 = tpu.memref_slice %arg5[%dma_wait3A_14, %dma_wait3A_15] : memref<1000000x64xf32, #tpu.memory_space<hbm>> -> memref<256x64xf32, #tpu.memory_space<hbm>>
    %dma_wait3A_17 = arith.constant 0 : i32
    %dma_wait3A_18 = arith.constant 0 : i32
    %dma_wait3A_19 = tpu.memref_slice %arg5[%dma_wait3A_17, %dma_wait3A_18] : memref<1000000x64xf32, #tpu.memory_space<hbm>> -> memref<256x64xf32, #tpu.memory_space<hbm>>
    tpu.wait_dma2 semaphore(%arg13 : memref<!tpu.dma_semaphore, #tpu.memory_space<semaphore_mem>>) src(%dma_wait3A_19 : memref<256x64xf32, #tpu.memory_space<hbm>>) dst(%arg11 : memref<256x64xf32, #tpu.memory_space<vmem>>)
    %add3A_20 = arith.constant 0 : i32
    %add3A_21 = arith.addi %mul3A_2, %add3A_20 : i32
    "tpu.region"() ({
      %run_scoped3A = tpu.sem_alloc : memref<!tpu.dma_semaphore, #tpu.memory_space<semaphore_mem>>
      %dma_start3A = arith.constant 0 : i32
      %dma_start3A_47 = tpu.memref_slice %arg6[%add3A_21, %dma_start3A] : memref<16384x64xf32, #tpu.memory_space<hbm>> -> memref<256x64xf32, #tpu.memory_space<hbm>>
      %dma_start3A_48 = arith.constant 0 : i32
      %dma_start3A_49 = tpu.memref_slice %arg6[%add3A_21, %dma_start3A_48] : memref<16384x64xf32, #tpu.memory_space<hbm>> -> memref<256x64xf32, #tpu.memory_space<hbm>>
      tpu.enqueue_dma source(%arg10 : memref<256x64xf32, #tpu.memory_space<vmem>>) target(%dma_start3A_49 : memref<256x64xf32, #tpu.memory_space<hbm>>) target_semaphore(%run_scoped3A : memref<!tpu.dma_semaphore, #tpu.memory_space<semaphore_mem>>)
      %dma_wait3A_50 = arith.constant 0 : i32
      %dma_wait3A_51 = tpu.memref_slice %arg6[%add3A_21, %dma_wait3A_50] : memref<16384x64xf32, #tpu.memory_space<hbm>> -> memref<256x64xf32, #tpu.memory_space<hbm>>
      %dma_wait3A_52 = arith.constant 0 : i32
      %dma_wait3A_53 = tpu.memref_slice %arg6[%add3A_21, %dma_wait3A_52] : memref<16384x64xf32, #tpu.memory_space<hbm>> -> memref<256x64xf32, #tpu.memory_space<hbm>>
      tpu.wait_dma2 semaphore(%run_scoped3A : memref<!tpu.dma_semaphore, #tpu.memory_space<semaphore_mem>>) src(%arg10 : memref<256x64xf32, #tpu.memory_space<vmem>>) dst(%dma_wait3A_53 : memref<256x64xf32, #tpu.memory_space<hbm>>)
      tpu.yield
    }) : () -> ()
    %add3A_22 = arith.constant 0 : i32
    %add3A_23 = arith.addi %mul3A_2, %add3A_22 : i32
    "tpu.region"() ({
      %run_scoped3A = tpu.sem_alloc : memref<!tpu.dma_semaphore, #tpu.memory_space<semaphore_mem>>
      %dma_start3A = arith.constant 0 : i32
      %dma_start3A_47 = tpu.memref_slice %arg7[%add3A_23, %dma_start3A] : memref<16384x64xf32, #tpu.memory_space<hbm>> -> memref<256x64xf32, #tpu.memory_space<hbm>>
      %dma_start3A_48 = arith.constant 0 : i32
      %dma_start3A_49 = tpu.memref_slice %arg7[%add3A_23, %dma_start3A_48] : memref<16384x64xf32, #tpu.memory_space<hbm>> -> memref<256x64xf32, #tpu.memory_space<hbm>>
      tpu.enqueue_dma source(%arg11 : memref<256x64xf32, #tpu.memory_space<vmem>>) target(%dma_start3A_49 : memref<256x64xf32, #tpu.memory_space<hbm>>) target_semaphore(%run_scoped3A : memref<!tpu.dma_semaphore, #tpu.memory_space<semaphore_mem>>)
      %dma_wait3A_50 = arith.constant 0 : i32
      %dma_wait3A_51 = tpu.memref_slice %arg7[%add3A_23, %dma_wait3A_50] : memref<16384x64xf32, #tpu.memory_space<hbm>> -> memref<256x64xf32, #tpu.memory_space<hbm>>
      %dma_wait3A_52 = arith.constant 0 : i32
      %dma_wait3A_53 = tpu.memref_slice %arg7[%add3A_23, %dma_wait3A_52] : memref<16384x64xf32, #tpu.memory_space<hbm>> -> memref<256x64xf32, #tpu.memory_space<hbm>>
      tpu.wait_dma2 semaphore(%run_scoped3A : memref<!tpu.dma_semaphore, #tpu.memory_space<semaphore_mem>>) src(%arg11 : memref<256x64xf32, #tpu.memory_space<vmem>>) dst(%dma_wait3A_53 : memref<256x64xf32, #tpu.memory_space<hbm>>)
      tpu.yield
    }) : () -> ()
    %scan3A_24 = arith.constant 0 : i32
    %scan3A_25 = arith.constant 0 : i32
    %scan3A_26 = arith.constant 16 : i32
    %scan3A_27 = arith.addi %scan3A_25, %scan3A_26 : i32
    %scan3A_28 = arith.constant 1 : i32
    %scan3A_29 = scf.for %scan3A_47 = %scan3A_25 to %scan3A_27 step %scan3A_28 iter_args(%scan3A_48 = %scan3A_24) -> (i32)  : i32 {
      %mul3A_49 = arith.constant 16 : i32
      %mul3A_50 = arith.muli %scan3A_47, %mul3A_49 : i32
      %add3A_51 = arith.constant 256 : i32
      %add3A_52 = arith.addi %add3A_51, %mul3A_50 : i32
      %get3A = arith.index_cast %add3A_52 : i32 to index
      %get3A_53 = tpu.vector_load %arg8[%get3A] {strides = array<i32>} : memref<512xi32, #tpu.memory_space<vmem>>, vector<16xi32>,
      %get3A_54 = vector.shape_cast %get3A_53 : vector<16xi32> to vector<16xi32>
      %mul3A_55 = arith.constant 16 : i32
      %mul3A_56 = arith.muli %scan3A_47, %mul3A_55 : i32
      %add3A_57 = arith.constant 256 : i32
      %add3A_58 = arith.addi %add3A_57, %mul3A_56 : i32
      %get3A_59 = arith.index_cast %add3A_58 : i32 to index
      %get3A_60 = tpu.vector_load %arg9[%get3A_59] {strides = array<i32>} : memref<512xi32, #tpu.memory_space<vmem>>, vector<16xi32>,
      %get3A_61 = vector.shape_cast %get3A_60 : vector<16xi32> to vector<16xi32>
      %slice3A = vector.extract_strided_slice %get3A_54 {offsets = [0], sizes = [1], strides = [1]} : vector<16xi32> to vector<1xi32>
      %squeeze3A = vector.extract %slice3A[0] : i32 from vector<1xi32>
      %mul3A_62 = arith.constant 16 : i32
      %mul3A_63 = arith.muli %scan3A_47, %mul3A_62 : i32
      %add3A_64 = arith.constant 0 : i32
      %add3A_65 = arith.addi %mul3A_63, %add3A_64 : i32
      %dma_start3A = arith.constant 0 : i32
      %dma_start3A_66 = tpu.memref_slice %arg10[%add3A_65, %dma_start3A] : memref<256x64xf32, #tpu.memory_space<vmem>> -> memref<1x64xf32, #tpu.memory_space<vmem>>
      %dma_start3A_67 = arith.constant 0 : i32
      %dma_start3A_68 = tpu.memref_slice %arg4[%squeeze3A, %dma_start3A_67] : memref<1000000x64xf32, #tpu.memory_space<hbm>> -> memref<1x64xf32, #tpu.memory_space<hbm>>
      %dma_start3A_69 = arith.constant 0 : i32
      %dma_start3A_70 = tpu.memref_slice %arg10[%add3A_65, %dma_start3A_69] : memref<256x64xf32, #tpu.memory_space<vmem>> -> memref<1x64xf32, #tpu.memory_space<vmem>>
      %dma_start3A_71 = arith.constant 0 : i32
      %dma_start3A_72 = tpu.memref_slice %arg4[%squeeze3A, %dma_start3A_71] : memref<1000000x64xf32, #tpu.memory_space<hbm>> -> memref<1x64xf32, #tpu.memory_space<hbm>>
      tpu.enqueue_dma source(%dma_start3A_72 : memref<1x64xf32, #tpu.memory_space<hbm>>) target(%dma_start3A_70 : memref<1x64xf32, #tpu.memory_space<vmem>>) target_semaphore(%arg12 : memref<!tpu.dma_semaphore, #tpu.memory_space<semaphore_mem>>)
      %slice3A_73 = vector.extract_strided_slice %get3A_61 {offsets = [0], sizes = [1], strides = [1]} : vector<16xi32> to vector<1xi32>
      %squeeze3A_74 = vector.extract %slice3A_73[0] : i32 from vector<1xi32>
      %mul3A_75 = arith.constant 16 : i32
      %mul3A_76 = arith.muli %scan3A_47, %mul3A_75 : i32
      %add3A_77 = arith.constant 0 : i32
      %add3A_78 = arith.addi %mul3A_76, %add3A_77 : i32
      %dma_start3A_79 = arith.constant 0 : i32
      %dma_start3A_80 = tpu.memref_slice %arg11[%add3A_78, %dma_start3A_79] : memref<256x64xf32, #tpu.memory_space<vmem>> -> memref<1x64xf32, #tpu.memory_space<vmem>>
      %dma_start3A_81 = arith.constant 0 : i32
      %dma_start3A_82 = tpu.memref_slice %arg5[%squeeze3A_74, %dma_start3A_81] : memref<1000000x64xf32, #tpu.memory_space<hbm>> -> memref<1x64xf32, #tpu.memory_space<hbm>>
      %dma_start3A_83 = arith.constant 0 : i32
      %dma_start3A_84 = tpu.memref_slice %arg11[%add3A_78, %dma_start3A_83] : memref<256x64xf32, #tpu.memory_space<vmem>> -> memref<1x64xf32, #tpu.memory_space<vmem>>
      %dma_start3A_85 = arith.constant 0 : i32
      %dma_start3A_86 = tpu.memref_slice %arg5[%squeeze3A_74, %dma_start3A_85] : memref<1000000x64xf32, #tpu.memory_space<hbm>> -> memref<1x64xf32, #tpu.memory_space<hbm>>
      tpu.enqueue_dma source(%dma_start3A_86 : memref<1x64xf32, #tpu.memory_space<hbm>>) target(%dma_start3A_84 : memref<1x64xf32, #tpu.memory_space<vmem>>) target_semaphore(%arg13 : memref<!tpu.dma_semaphore, #tpu.memory_space<semaphore_mem>>)
      %slice3A_87 = vector.extract_strided_slice %get3A_54 {offsets = [1], sizes = [1], strides = [1]} : vector<16xi32> to vector<1xi32>
      %squeeze3A_88 = vector.extract %slice3A_87[0] : i32 from vector<1xi32>
      %mul3A_89 = arith.constant 16 : i32
      %mul3A_90 = arith.muli %scan3A_47, %mul3A_89 : i32
      %add3A_91 = arith.constant 1 : i32
      %add3A_92 = arith.addi %mul3A_90, %add3A_91 : i32
      %dma_start3A_93 = arith.constant 0 : i32
      %dma_start3A_94 = tpu.memref_slice %arg10[%add3A_92, %dma_start3A_93] : memref<256x64xf32, #tpu.memory_space<vmem>> -> memref<1x64xf32, #tpu.memory_space<vmem>>
      %dma_start3A_95 = arith.constant 0 : i32
      %dma_start3A_96 = tpu.memref_slice %arg4[%squeeze3A_88, %dma_start3A_95] : memref<1000000x64xf32, #tpu.memory_space<hbm>> -> memref<1x64xf32, #tpu.memory_space<hbm>>
      %dma_start3A_97 = arith.constant 0 : i32
      %dma_start3A_98 = tpu.memref_slice %arg10[%add3A_92, %dma_start3A_97] : memref<256x64xf32, #tpu.memory_space<vmem>> -> memref<1x64xf32, #tpu.memory_space<vmem>>
      %dma_start3A_99 = arith.constant 0 : i32
      %dma_start3A_100 = tpu.memref_slice %arg4[%squeeze3A_88, %dma_start3A_99] : memref<1000000x64xf32, #tpu.memory_space<hbm>> -> memref<1x64xf32, #tpu.memory_space<hbm>>
      tpu.enqueue_dma source(%dma_start3A_100 : memref<1x64xf32, #tpu.memory_space<hbm>>) target(%dma_start3A_98 : memref<1x64xf32, #tpu.memory_space<vmem>>) target_semaphore(%arg12 : memref<!tpu.dma_semaphore, #tpu.memory_space<semaphore_mem>>)
      %slice3A_101 = vector.extract_strided_slice %get3A_61 {offsets = [1], sizes = [1], strides = [1]} : vector<16xi32> to vector<1xi32>
      %squeeze3A_102 = vector.extract %slice3A_101[0] : i32 from vector<1xi32>
      %mul3A_103 = arith.constant 16 : i32
      %mul3A_104 = arith.muli %scan3A_47, %mul3A_103 : i32
      %add3A_105 = arith.constant 1 : i32
      %add3A_106 = arith.addi %mul3A_104, %add3A_105 : i32
      %dma_start3A_107 = arith.constant 0 : i32
      %dma_start3A_108 = tpu.memref_slice %arg11[%add3A_106, %dma_start3A_107] : memref<256x64xf32, #tpu.memory_space<vmem>> -> memref<1x64xf32, #tpu.memory_space<vmem>>
      %dma_start3A_109 = arith.constant 0 : i32
      %dma_start3A_110 = tpu.memref_slice %arg5[%squeeze3A_102, %dma_start3A_109] : memref<1000000x64xf32, #tpu.memory_space<hbm>> -> memref<1x64xf32, #tpu.memory_space<hbm>>
      %dma_start3A_111 = arith.constant 0 : i32
      %dma_start3A_112 = tpu.memref_slice %arg11[%add3A_106, %dma_start3A_111] : memref<256x64xf32, #tpu.memory_space<vmem>> -> memref<1x64xf32, #tpu.memory_space<vmem>>
      %dma_start3A_113 = arith.constant 0 : i32
      %dma_start3A_114 = tpu.memref_slice %arg5[%squeeze3A_102, %dma_start3A_113] : memref<1000000x64xf32, #tpu.memory_space<hbm>> -> memref<1x64xf32, #tpu.memory_space<hbm>>
      tpu.enqueue_dma source(%dma_start3A_114 : memref<1x64xf32, #tpu.memory_space<hbm>>) target(%dma_start3A_112 : memref<1x64xf32, #tpu.memory_space<vmem>>) target_semaphore(%arg13 : memref<!tpu.dma_semaphore, #tpu.memory_space<semaphore_mem>>)
      %slice3A_115 = vector.extract_strided_slice %get3A_54 {offsets = [2], sizes = [1], strides = [1]} : vector<16xi32> to vector<1xi32>
      %squeeze3A_116 = vector.extract %slice3A_115[0] : i32 from vector<1xi32>
      %mul3A_117 = arith.constant 16 : i32
      %mul3A_118 = arith.muli %scan3A_47, %mul3A_117 : i32
      %add3A_119 = arith.constant 2 : i32
      %add3A_120 = arith.addi %mul3A_118, %add3A_119 : i32
      %dma_start3A_121 = arith.constant 0 : i32
      %dma_start3A_122 = tpu.memref_slice %arg10[%add3A_120, %dma_start3A_121] : memref<256x64xf32, #tpu.memory_space<vmem>> -> memref<1x64xf32, #tpu.memory_space<vmem>>
      %dma_start3A_123 = arith.constant 0 : i32
      %dma_start3A_124 = tpu.memref_slice %arg4[%squeeze3A_116, %dma_start3A_123] : memref<1000000x64xf32, #tpu.memory_space<hbm>> -> memref<1x64xf32, #tpu.memory_space<hbm>>
      %dma_start3A_125 = arith.constant 0 : i32
      %dma_start3A_126 = tpu.memref_slice %arg10[%add3A_120, %dma_start3A_125] : memref<256x64xf32, #tpu.memory_space<vmem>> -> memref<1x64xf32, #tpu.memory_space<vmem>>
      %dma_start3A_127 = arith.constant 0 : i32
      %dma_start3A_128 = tpu.memref_slice %arg4[%squeeze3A_116, %dma_start3A_127] : memref<1000000x64xf32, #tpu.memory_space<hbm>> -> memref<1x64xf32, #tpu.memory_space<hbm>>
      tpu.enqueue_dma source(%dma_start3A_128 : memref<1x64xf32, #tpu.memory_space<hbm>>) target(%dma_start3A_126 : memref<1x64xf32, #tpu.memory_space<vmem>>) target_semaphore(%arg12 : memref<!tpu.dma_semaphore, #tpu.memory_space<semaphore_mem>>)
      %slice3A_129 = vector.extract_strided_slice %get3A_61 {offsets = [2], sizes = [1], strides = [1]} : vector<16xi32> to vector<1xi32>
      %squeeze3A_130 = vector.extract %slice3A_129[0] : i32 from vector<1xi32>
      %mul3A_131 = arith.constant 16 : i32
      %mul3A_132 = arith.muli %scan3A_47, %mul3A_131 : i32
      %add3A_133 = arith.constant 2 : i32
      %add3A_134 = arith.addi %mul3A_132, %add3A_133 : i32
      %dma_start3A_135 = arith.constant 0 : i32
      %dma_start3A_136 = tpu.memref_slice %arg11[%add3A_134, %dma_start3A_135] : memref<256x64xf32, #tpu.memory_space<vmem>> -> memref<1x64xf32, #tpu.memory_space<vmem>>
      %dma_start3A_137 = arith.constant 0 : i32
      %dma_start3A_138 = tpu.memref_slice %arg5[%squeeze3A_130, %dma_start3A_137] : memref<1000000x64xf32, #tpu.memory_space<hbm>> -> memref<1x64xf32, #tpu.memory_space<hbm>>
      %dma_start3A_139 = arith.constant 0 : i32
      %dma_start3A_140 = tpu.memref_slice %arg11[%add3A_134, %dma_start3A_139] : memref<256x64xf32, #tpu.memory_space<vmem>> -> memref<1x64xf32, #tpu.memory_space<vmem>>
      %dma_start3A_141 = arith.constant 0 : i32
      %dma_start3A_142 = tpu.memref_slice %arg5[%squeeze3A_130, %dma_start3A_141] : memref<1000000x64xf32, #tpu.memory_space<hbm>> -> memref<1x64xf32, #tpu.memory_space<hbm>>
      tpu.enqueue_dma source(%dma_start3A_142 : memref<1x64xf32, #tpu.memory_space<hbm>>) target(%dma_start3A_140 : memref<1x64xf32, #tpu.memory_space<vmem>>) target_semaphore(%arg13 : memref<!tpu.dma_semaphore, #tpu.memory_space<semaphore_mem>>)
      %slice3A_143 = vector.extract_strided_slice %get3A_54 {offsets = [3], sizes = [1], strides = [1]} : vector<16xi32> to vector<1xi32>
      %squeeze3A_144 = vector.extract %slice3A_143[0] : i32 from vector<1xi32>
      %mul3A_145 = arith.constant 16 : i32
      %mul3A_146 = arith.muli %scan3A_47, %mul3A_145 : i32
      %add3A_147 = arith.constant 3 : i32
      %add3A_148 = arith.addi %mul3A_146, %add3A_147 : i32
      %dma_start3A_149 = arith.constant 0 : i32
      %dma_start3A_150 = tpu.memref_slice %arg10[%add3A_148, %dma_start3A_149] : memref<256x64xf32, #tpu.memory_space<vmem>> -> memref<1x64xf32, #tpu.memory_space<vmem>>
      %dma_start3A_151 = arith.constant 0 : i32
      %dma_start3A_152 = tpu.memref_slice %arg4[%squeeze3A_144, %dma_start3A_151] : memref<1000000x64xf32, #tpu.memory_space<hbm>> -> memref<1x64xf32, #tpu.memory_space<hbm>>
      %dma_start3A_153 = arith.constant 0 : i32
      %dma_start3A_154 = tpu.memref_slice %arg10[%add3A_148, %dma_start3A_153] : memref<256x64xf32, #tpu.memory_space<vmem>> -> memref<1x64xf32, #tpu.memory_space<vmem>>
      %dma_start3A_155 = arith.constant 0 : i32
      %dma_start3A_156 = tpu.memref_slice %arg4[%squeeze3A_144, %dma_start3A_155] : memref<1000000x64xf32, #tpu.memory_space<hbm>> -> memref<1x64xf32, #tpu.memory_space<hbm>>
      tpu.enqueue_dma source(%dma_start3A_156 : memref<1x64xf32, #tpu.memory_space<hbm>>) target(%dma_start3A_154 : memref<1x64xf32, #tpu.memory_space<vmem>>) target_semaphore(%arg12 : memref<!tpu.dma_semaphore, #tpu.memory_space<semaphore_mem>>)
      %slice3A_157 = vector.extract_strided_slice %get3A_61 {offsets = [3], sizes = [1], strides = [1]} : vector<16xi32> to vector<1xi32>
      %squeeze3A_158 = vector.extract %slice3A_157[0] : i32 from vector<1xi32>
      %mul3A_159 = arith.constant 16 : i32
      %mul3A_160 = arith.muli %scan3A_47, %mul3A_159 : i32
      %add3A_161 = arith.constant 3 : i32
      %add3A_162 = arith.addi %mul3A_160, %add3A_161 : i32
      %dma_start3A_163 = arith.constant 0 : i32
      %dma_start3A_164 = tpu.memref_slice %arg11[%add3A_162, %dma_start3A_163] : memref<256x64xf32, #tpu.memory_space<vmem>> -> memref<1x64xf32, #tpu.memory_space<vmem>>
      %dma_start3A_165 = arith.constant 0 : i32
      %dma_start3A_166 = tpu.memref_slice %arg5[%squeeze3A_158, %dma_start3A_165] : memref<1000000x64xf32, #tpu.memory_space<hbm>> -> memref<1x64xf32, #tpu.memory_space<hbm>>
      %dma_start3A_167 = arith.constant 0 : i32
      %dma_start3A_168 = tpu.memref_slice %arg11[%add3A_162, %dma_start3A_167] : memref<256x64xf32, #tpu.memory_space<vmem>> -> memref<1x64xf32, #tpu.memory_space<vmem>>
      %dma_start3A_169 = arith.constant 0 : i32
      %dma_start3A_170 = tpu.memref_slice %arg5[%squeeze3A_158, %dma_start3A_169] : memref<1000000x64xf32, #tpu.memory_space<hbm>> -> memref<1x64xf32, #tpu.memory_space<hbm>>
      tpu.enqueue_dma source(%dma_start3A_170 : memref<1x64xf32, #tpu.memory_space<hbm>>) target(%dma_start3A_168 : memref<1x64xf32, #tpu.memory_space<vmem>>) target_semaphore(%arg13 : memref<!tpu.dma_semaphore, #tpu.memory_space<semaphore_mem>>)
      %slice3A_171 = vector.extract_strided_slice %get3A_54 {offsets = [4], sizes = [1], strides = [1]} : vector<16xi32> to vector<1xi32>
      %squeeze3A_172 = vector.extract %slice3A_171[0] : i32 from vector<1xi32>
      %mul3A_173 = arith.constant 16 : i32
      %mul3A_174 = arith.muli %scan3A_47, %mul3A_173 : i32
      %add3A_175 = arith.constant 4 : i32
      %add3A_176 = arith.addi %mul3A_174, %add3A_175 : i32
      %dma_start3A_177 = arith.constant 0 : i32
      %dma_start3A_178 = tpu.memref_slice %arg10[%add3A_176, %dma_start3A_177] : memref<256x64xf32, #tpu.memory_space<vmem>> -> memref<1x64xf32, #tpu.memory_space<vmem>>
      %dma_start3A_179 = arith.constant 0 : i32
      %dma_start3A_180 = tpu.memref_slice %arg4[%squeeze3A_172, %dma_start3A_179] : memref<1000000x64xf32, #tpu.memory_space<hbm>> -> memref<1x64xf32, #tpu.memory_space<hbm>>
      %dma_start3A_181 = arith.constant 0 : i32
      %dma_start3A_182 = tpu.memref_slice %arg10[%add3A_176, %dma_start3A_181] : memref<256x64xf32, #tpu.memory_space<vmem>> -> memref<1x64xf32, #tpu.memory_space<vmem>>
      %dma_start3A_183 = arith.constant 0 : i32
      %dma_start3A_184 = tpu.memref_slice %arg4[%squeeze3A_172, %dma_start3A_183] : memref<1000000x64xf32, #tpu.memory_space<hbm>> -> memref<1x64xf32, #tpu.memory_space<hbm>>
      tpu.enqueue_dma source(%dma_start3A_184 : memref<1x64xf32, #tpu.memory_space<hbm>>) target(%dma_start3A_182 : memref<1x64xf32, #tpu.memory_space<vmem>>) target_semaphore(%arg12 : memref<!tpu.dma_semaphore, #tpu.memory_space<semaphore_mem>>)
      %slice3A_185 = vector.extract_strided_slice %get3A_61 {offsets = [4], sizes = [1], strides = [1]} : vector<16xi32> to vector<1xi32>
      %squeeze3A_186 = vector.extract %slice3A_185[0] : i32 from vector<1xi32>
      %mul3A_187 = arith.constant 16 : i32
      %mul3A_188 = arith.muli %scan3A_47, %mul3A_187 : i32
      %add3A_189 = arith.constant 4 : i32
      %add3A_190 = arith.addi %mul3A_188, %add3A_189 : i32
      %dma_start3A_191 = arith.constant 0 : i32
      %dma_start3A_192 = tpu.memref_slice %arg11[%add3A_190, %dma_start3A_191] : memref<256x64xf32, #tpu.memory_space<vmem>> -> memref<1x64xf32, #tpu.memory_space<vmem>>
      %dma_start3A_193 = arith.constant 0 : i32
      %dma_start3A_194 = tpu.memref_slice %arg5[%squeeze3A_186, %dma_start3A_193] : memref<1000000x64xf32, #tpu.memory_space<hbm>> -> memref<1x64xf32, #tpu.memory_space<hbm>>
      %dma_start3A_195 = arith.constant 0 : i32
      %dma_start3A_196 = tpu.memref_slice %arg11[%add3A_190, %dma_start3A_195] : memref<256x64xf32, #tpu.memory_space<vmem>> -> memref<1x64xf32, #tpu.memory_space<vmem>>
      %dma_start3A_197 = arith.constant 0 : i32
      %dma_start3A_198 = tpu.memref_slice %arg5[%squeeze3A_186, %dma_start3A_197] : memref<1000000x64xf32, #tpu.memory_space<hbm>> -> memref<1x64xf32, #tpu.memory_space<hbm>>
      tpu.enqueue_dma source(%dma_start3A_198 : memref<1x64xf32, #tpu.memory_space<hbm>>) target(%dma_start3A_196 : memref<1x64xf32, #tpu.memory_space<vmem>>) target_semaphore(%arg13 : memref<!tpu.dma_semaphore, #tpu.memory_space<semaphore_mem>>)
      %slice3A_199 = vector.extract_strided_slice %get3A_54 {offsets = [5], sizes = [1], strides = [1]} : vector<16xi32> to vector<1xi32>
      %squeeze3A_200 = vector.extract %slice3A_199[0] : i32 from vector<1xi32>
      %mul3A_201 = arith.constant 16 : i32
      %mul3A_202 = arith.muli %scan3A_47, %mul3A_201 : i32
      %add3A_203 = arith.constant 5 : i32
      %add3A_204 = arith.addi %mul3A_202, %add3A_203 : i32
      %dma_start3A_205 = arith.constant 0 : i32
      %dma_start3A_206 = tpu.memref_slice %arg10[%add3A_204, %dma_start3A_205] : memref<256x64xf32, #tpu.memory_space<vmem>> -> memref<1x64xf32, #tpu.memory_space<vmem>>
      %dma_start3A_207 = arith.constant 0 : i32
      %dma_start3A_208 = tpu.memref_slice %arg4[%squeeze3A_200, %dma_start3A_207] : memref<1000000x64xf32, #tpu.memory_space<hbm>> -> memref<1x64xf32, #tpu.memory_space<hbm>>
      %dma_start3A_209 = arith.constant 0 : i32
      %dma_start3A_210 = tpu.memref_slice %arg10[%add3A_204, %dma_start3A_209] : memref<256x64xf32, #tpu.memory_space<vmem>> -> memref<1x64xf32, #tpu.memory_space<vmem>>
      %dma_start3A_211 = arith.constant 0 : i32
      %dma_start3A_212 = tpu.memref_slice %arg4[%squeeze3A_200, %dma_start3A_211] : memref<1000000x64xf32, #tpu.memory_space<hbm>> -> memref<1x64xf32, #tpu.memory_space<hbm>>
      tpu.enqueue_dma source(%dma_start3A_212 : memref<1x64xf32, #tpu.memory_space<hbm>>) target(%dma_start3A_210 : memref<1x64xf32, #tpu.memory_space<vmem>>) target_semaphore(%arg12 : memref<!tpu.dma_semaphore, #tpu.memory_space<semaphore_mem>>)
      %slice3A_213 = vector.extract_strided_slice %get3A_61 {offsets = [5], sizes = [1], strides = [1]} : vector<16xi32> to vector<1xi32>
      %squeeze3A_214 = vector.extract %slice3A_213[0] : i32 from vector<1xi32>
      %mul3A_215 = arith.constant 16 : i32
      %mul3A_216 = arith.muli %scan3A_47, %mul3A_215 : i32
      %add3A_217 = arith.constant 5 : i32
      %add3A_218 = arith.addi %mul3A_216, %add3A_217 : i32
      %dma_start3A_219 = arith.constant 0 : i32
      %dma_start3A_220 = tpu.memref_slice %arg11[%add3A_218, %dma_start3A_219] : memref<256x64xf32, #tpu.memory_space<vmem>> -> memref<1x64xf32, #tpu.memory_space<vmem>>
      %dma_start3A_221 = arith.constant 0 : i32
      %dma_start3A_222 = tpu.memref_slice %arg5[%squeeze3A_214, %dma_start3A_221] : memref<1000000x64xf32, #tpu.memory_space<hbm>> -> memref<1x64xf32, #tpu.memory_space<hbm>>
      %dma_start3A_223 = arith.constant 0 : i32
      %dma_start3A_224 = tpu.memref_slice %arg11[%add3A_218, %dma_start3A_223] : memref<256x64xf32, #tpu.memory_space<vmem>> -> memref<1x64xf32, #tpu.memory_space<vmem>>
      %dma_start3A_225 = arith.constant 0 : i32
      %dma_start3A_226 = tpu.memref_slice %arg5[%squeeze3A_214, %dma_start3A_225] : memref<1000000x64xf32, #tpu.memory_space<hbm>> -> memref<1x64xf32, #tpu.memory_space<hbm>>
      tpu.enqueue_dma source(%dma_start3A_226 : memref<1x64xf32, #tpu.memory_space<hbm>>) target(%dma_start3A_224 : memref<1x64xf32, #tpu.memory_space<vmem>>) target_semaphore(%arg13 : memref<!tpu.dma_semaphore, #tpu.memory_space<semaphore_mem>>)
      %slice3A_227 = vector.extract_strided_slice %get3A_54 {offsets = [6], sizes = [1], strides = [1]} : vector<16xi32> to vector<1xi32>
      %squeeze3A_228 = vector.extract %slice3A_227[0] : i32 from vector<1xi32>
      %mul3A_229 = arith.constant 16 : i32
      %mul3A_230 = arith.muli %scan3A_47, %mul3A_229 : i32
      %add3A_231 = arith.constant 6 : i32
      %add3A_232 = arith.addi %mul3A_230, %add3A_231 : i32
      %dma_start3A_233 = arith.constant 0 : i32
      %dma_start3A_234 = tpu.memref_slice %arg10[%add3A_232, %dma_start3A_233] : memref<256x64xf32, #tpu.memory_space<vmem>> -> memref<1x64xf32, #tpu.memory_space<vmem>>
      %dma_start3A_235 = arith.constant 0 : i32
      %dma_start3A_236 = tpu.memref_slice %arg4[%squeeze3A_228, %dma_start3A_235] : memref<1000000x64xf32, #tpu.memory_space<hbm>> -> memref<1x64xf32, #tpu.memory_space<hbm>>
      %dma_start3A_237 = arith.constant 0 : i32
      %dma_start3A_238 = tpu.memref_slice %arg10[%add3A_232, %dma_start3A_237] : memref<256x64xf32, #tpu.memory_space<vmem>> -> memref<1x64xf32, #tpu.memory_space<vmem>>
      %dma_start3A_239 = arith.constant 0 : i32
      %dma_start3A_240 = tpu.memref_slice %arg4[%squeeze3A_228, %dma_start3A_239] : memref<1000000x64xf32, #tpu.memory_space<hbm>> -> memref<1x64xf32, #tpu.memory_space<hbm>>
      tpu.enqueue_dma source(%dma_start3A_240 : memref<1x64xf32, #tpu.memory_space<hbm>>) target(%dma_start3A_238 : memref<1x64xf32, #tpu.memory_space<vmem>>) target_semaphore(%arg12 : memref<!tpu.dma_semaphore, #tpu.memory_space<semaphore_mem>>)
      %slice3A_241 = vector.extract_strided_slice %get3A_61 {offsets = [6], sizes = [1], strides = [1]} : vector<16xi32> to vector<1xi32>
      %squeeze3A_242 = vector.extract %slice3A_241[0] : i32 from vector<1xi32>
      %mul3A_243 = arith.constant 16 : i32
      %mul3A_244 = arith.muli %scan3A_47, %mul3A_243 : i32
      %add3A_245 = arith.constant 6 : i32
      %add3A_246 = arith.addi %mul3A_244, %add3A_245 : i32
      %dma_start3A_247 = arith.constant 0 : i32
      %dma_start3A_248 = tpu.memref_slice %arg11[%add3A_246, %dma_start3A_247] : memref<256x64xf32, #tpu.memory_space<vmem>> -> memref<1x64xf32, #tpu.memory_space<vmem>>
      %dma_start3A_249 = arith.constant 0 : i32
      %dma_start3A_250 = tpu.memref_slice %arg5[%squeeze3A_242, %dma_start3A_249] : memref<1000000x64xf32, #tpu.memory_space<hbm>> -> memref<1x64xf32, #tpu.memory_space<hbm>>
      %dma_start3A_251 = arith.constant 0 : i32
      %dma_start3A_252 = tpu.memref_slice %arg11[%add3A_246, %dma_start3A_251] : memref<256x64xf32, #tpu.memory_space<vmem>> -> memref<1x64xf32, #tpu.memory_space<vmem>>
      %dma_start3A_253 = arith.constant 0 : i32
      %dma_start3A_254 = tpu.memref_slice %arg5[%squeeze3A_242, %dma_start3A_253] : memref<1000000x64xf32, #tpu.memory_space<hbm>> -> memref<1x64xf32, #tpu.memory_space<hbm>>
      tpu.enqueue_dma source(%dma_start3A_254 : memref<1x64xf32, #tpu.memory_space<hbm>>) target(%dma_start3A_252 : memref<1x64xf32, #tpu.memory_space<vmem>>) target_semaphore(%arg13 : memref<!tpu.dma_semaphore, #tpu.memory_space<semaphore_mem>>)
      %slice3A_255 = vector.extract_strided_slice %get3A_54 {offsets = [7], sizes = [1], strides = [1]} : vector<16xi32> to vector<1xi32>
      %squeeze3A_256 = vector.extract %slice3A_255[0] : i32 from vector<1xi32>
      %mul3A_257 = arith.constant 16 : i32
      %mul3A_258 = arith.muli %scan3A_47, %mul3A_257 : i32
      %add3A_259 = arith.constant 7 : i32
      %add3A_260 = arith.addi %mul3A_258, %add3A_259 : i32
      %dma_start3A_261 = arith.constant 0 : i32
      %dma_start3A_262 = tpu.memref_slice %arg10[%add3A_260, %dma_start3A_261] : memref<256x64xf32, #tpu.memory_space<vmem>> -> memref<1x64xf32, #tpu.memory_space<vmem>>
      %dma_start3A_263 = arith.constant 0 : i32
      %dma_start3A_264 = tpu.memref_slice %arg4[%squeeze3A_256, %dma_start3A_263] : memref<1000000x64xf32, #tpu.memory_space<hbm>> -> memref<1x64xf32, #tpu.memory_space<hbm>>
      %dma_start3A_265 = arith.constant 0 : i32
      %dma_start3A_266 = tpu.memref_slice %arg10[%add3A_260, %dma_start3A_265] : memref<256x64xf32, #tpu.memory_space<vmem>> -> memref<1x64xf32, #tpu.memory_space<vmem>>
      %dma_start3A_267 = arith.constant 0 : i32
      %dma_start3A_268 = tpu.memref_slice %arg4[%squeeze3A_256, %dma_start3A_267] : memref<1000000x64xf32, #tpu.memory_space<hbm>> -> memref<1x64xf32, #tpu.memory_space<hbm>>
      tpu.enqueue_dma source(%dma_start3A_268 : memref<1x64xf32, #tpu.memory_space<hbm>>) target(%dma_start3A_266 : memref<1x64xf32, #tpu.memory_space<vmem>>) target_semaphore(%arg12 : memref<!tpu.dma_semaphore, #tpu.memory_space<semaphore_mem>>)
      %slice3A_269 = vector.extract_strided_slice %get3A_61 {offsets = [7], sizes = [1], strides = [1]} : vector<16xi32> to vector<1xi32>
      %squeeze3A_270 = vector.extract %slice3A_269[0] : i32 from vector<1xi32>
      %mul3A_271 = arith.constant 16 : i32
      %mul3A_272 = arith.muli %scan3A_47, %mul3A_271 : i32
      %add3A_273 = arith.constant 7 : i32
      %add3A_274 = arith.addi %mul3A_272, %add3A_273 : i32
      %dma_start3A_275 = arith.constant 0 : i32
      %dma_start3A_276 = tpu.memref_slice %arg11[%add3A_274, %dma_start3A_275] : memref<256x64xf32, #tpu.memory_space<vmem>> -> memref<1x64xf32, #tpu.memory_space<vmem>>
      %dma_start3A_277 = arith.constant 0 : i32
      %dma_start3A_278 = tpu.memref_slice %arg5[%squeeze3A_270, %dma_start3A_277] : memref<1000000x64xf32, #tpu.memory_space<hbm>> -> memref<1x64xf32, #tpu.memory_space<hbm>>
      %dma_start3A_279 = arith.constant 0 : i32
      %dma_start3A_280 = tpu.memref_slice %arg11[%add3A_274, %dma_start3A_279] : memref<256x64xf32, #tpu.memory_space<vmem>> -> memref<1x64xf32, #tpu.memory_space<vmem>>
      %dma_start3A_281 = arith.constant 0 : i32
      %dma_start3A_282 = tpu.memref_slice %arg5[%squeeze3A_270, %dma_start3A_281] : memref<1000000x64xf32, #tpu.memory_space<hbm>> -> memref<1x64xf32, #tpu.memory_space<hbm>>
      tpu.enqueue_dma source(%dma_start3A_282 : memref<1x64xf32, #tpu.memory_space<hbm>>) target(%dma_start3A_280 : memref<1x64xf32, #tpu.memory_space<vmem>>) target_semaphore(%arg13 : memref<!tpu.dma_semaphore, #tpu.memory_space<semaphore_mem>>)
      %slice3A_283 = vector.extract_strided_slice %get3A_54 {offsets = [8], sizes = [1], strides = [1]} : vector<16xi32> to vector<1xi32>
      %squeeze3A_284 = vector.extract %slice3A_283[0] : i32 from vector<1xi32>
      %mul3A_285 = arith.constant 16 : i32
      %mul3A_286 = arith.muli %scan3A_47, %mul3A_285 : i32
      %add3A_287 = arith.constant 8 : i32
      %add3A_288 = arith.addi %mul3A_286, %add3A_287 : i32
      %dma_start3A_289 = arith.constant 0 : i32
      %dma_start3A_290 = tpu.memref_slice %arg10[%add3A_288, %dma_start3A_289] : memref<256x64xf32, #tpu.memory_space<vmem>> -> memref<1x64xf32, #tpu.memory_space<vmem>>
      %dma_start3A_291 = arith.constant 0 : i32
      %dma_start3A_292 = tpu.memref_slice %arg4[%squeeze3A_284, %dma_start3A_291] : memref<1000000x64xf32, #tpu.memory_space<hbm>> -> memref<1x64xf32, #tpu.memory_space<hbm>>
      %dma_start3A_293 = arith.constant 0 : i32
      %dma_start3A_294 = tpu.memref_slice %arg10[%add3A_288, %dma_start3A_293] : memref<256x64xf32, #tpu.memory_space<vmem>> -> memref<1x64xf32, #tpu.memory_space<vmem>>
      %dma_start3A_295 = arith.constant 0 : i32
      %dma_start3A_296 = tpu.memref_slice %arg4[%squeeze3A_284, %dma_start3A_295] : memref<1000000x64xf32, #tpu.memory_space<hbm>> -> memref<1x64xf32, #tpu.memory_space<hbm>>
      tpu.enqueue_dma source(%dma_start3A_296 : memref<1x64xf32, #tpu.memory_space<hbm>>) target(%dma_start3A_294 : memref<1x64xf32, #tpu.memory_space<vmem>>) target_semaphore(%arg12 : memref<!tpu.dma_semaphore, #tpu.memory_space<semaphore_mem>>)
      %slice3A_297 = vector.extract_strided_slice %get3A_61 {offsets = [8], sizes = [1], strides = [1]} : vector<16xi32> to vector<1xi32>
      %squeeze3A_298 = vector.extract %slice3A_297[0] : i32 from vector<1xi32>
      %mul3A_299 = arith.constant 16 : i32
      %mul3A_300 = arith.muli %scan3A_47, %mul3A_299 : i32
      %add3A_301 = arith.constant 8 : i32
      %add3A_302 = arith.addi %mul3A_300, %add3A_301 : i32
      %dma_start3A_303 = arith.constant 0 : i32
      %dma_start3A_304 = tpu.memref_slice %arg11[%add3A_302, %dma_start3A_303] : memref<256x64xf32, #tpu.memory_space<vmem>> -> memref<1x64xf32, #tpu.memory_space<vmem>>
      %dma_start3A_305 = arith.constant 0 : i32
      %dma_start3A_306 = tpu.memref_slice %arg5[%squeeze3A_298, %dma_start3A_305] : memref<1000000x64xf32, #tpu.memory_space<hbm>> -> memref<1x64xf32, #tpu.memory_space<hbm>>
      %dma_start3A_307 = arith.constant 0 : i32
      %dma_start3A_308 = tpu.memref_slice %arg11[%add3A_302, %dma_start3A_307] : memref<256x64xf32, #tpu.memory_space<vmem>> -> memref<1x64xf32, #tpu.memory_space<vmem>>
      %dma_start3A_309 = arith.constant 0 : i32
      %dma_start3A_310 = tpu.memref_slice %arg5[%squeeze3A_298, %dma_start3A_309] : memref<1000000x64xf32, #tpu.memory_space<hbm>> -> memref<1x64xf32, #tpu.memory_space<hbm>>
      tpu.enqueue_dma source(%dma_start3A_310 : memref<1x64xf32, #tpu.memory_space<hbm>>) target(%dma_start3A_308 : memref<1x64xf32, #tpu.memory_space<vmem>>) target_semaphore(%arg13 : memref<!tpu.dma_semaphore, #tpu.memory_space<semaphore_mem>>)
      %slice3A_311 = vector.extract_strided_slice %get3A_54 {offsets = [9], sizes = [1], strides = [1]} : vector<16xi32> to vector<1xi32>
      %squeeze3A_312 = vector.extract %slice3A_311[0] : i32 from vector<1xi32>
      %mul3A_313 = arith.constant 16 : i32
      %mul3A_314 = arith.muli %scan3A_47, %mul3A_313 : i32
      %add3A_315 = arith.constant 9 : i32
      %add3A_316 = arith.addi %mul3A_314, %add3A_315 : i32
      %dma_start3A_317 = arith.constant 0 : i32
      %dma_start3A_318 = tpu.memref_slice %arg10[%add3A_316, %dma_start3A_317] : memref<256x64xf32, #tpu.memory_space<vmem>> -> memref<1x64xf32, #tpu.memory_space<vmem>>
      %dma_start3A_319 = arith.constant 0 : i32
      %dma_start3A_320 = tpu.memref_slice %arg4[%squeeze3A_312, %dma_start3A_319] : memref<1000000x64xf32, #tpu.memory_space<hbm>> -> memref<1x64xf32, #tpu.memory_space<hbm>>
      %dma_start3A_321 = arith.constant 0 : i32
      %dma_start3A_322 = tpu.memref_slice %arg10[%add3A_316, %dma_start3A_321] : memref<256x64xf32, #tpu.memory_space<vmem>> -> memref<1x64xf32, #tpu.memory_space<vmem>>
      %dma_start3A_323 = arith.constant 0 : i32
      %dma_start3A_324 = tpu.memref_slice %arg4[%squeeze3A_312, %dma_start3A_323] : memref<1000000x64xf32, #tpu.memory_space<hbm>> -> memref<1x64xf32, #tpu.memory_space<hbm>>
      tpu.enqueue_dma source(%dma_start3A_324 : memref<1x64xf32, #tpu.memory_space<hbm>>) target(%dma_start3A_322 : memref<1x64xf32, #tpu.memory_space<vmem>>) target_semaphore(%arg12 : memref<!tpu.dma_semaphore, #tpu.memory_space<semaphore_mem>>)
      %slice3A_325 = vector.extract_strided_slice %get3A_61 {offsets = [9], sizes = [1], strides = [1]} : vector<16xi32> to vector<1xi32>
      %squeeze3A_326 = vector.extract %slice3A_325[0] : i32 from vector<1xi32>
      %mul3A_327 = arith.constant 16 : i32
      %mul3A_328 = arith.muli %scan3A_47, %mul3A_327 : i32
      %add3A_329 = arith.constant 9 : i32
      %add3A_330 = arith.addi %mul3A_328, %add3A_329 : i32
      %dma_start3A_331 = arith.constant 0 : i32
      %dma_start3A_332 = tpu.memref_slice %arg11[%add3A_330, %dma_start3A_331] : memref<256x64xf32, #tpu.memory_space<vmem>> -> memref<1x64xf32, #tpu.memory_space<vmem>>
      %dma_start3A_333 = arith.constant 0 : i32
      %dma_start3A_334 = tpu.memref_slice %arg5[%squeeze3A_326, %dma_start3A_333] : memref<1000000x64xf32, #tpu.memory_space<hbm>> -> memref<1x64xf32, #tpu.memory_space<hbm>>
      %dma_start3A_335 = arith.constant 0 : i32
      %dma_start3A_336 = tpu.memref_slice %arg11[%add3A_330, %dma_start3A_335] : memref<256x64xf32, #tpu.memory_space<vmem>> -> memref<1x64xf32, #tpu.memory_space<vmem>>
      %dma_start3A_337 = arith.constant 0 : i32
      %dma_start3A_338 = tpu.memref_slice %arg5[%squeeze3A_326, %dma_start3A_337] : memref<1000000x64xf32, #tpu.memory_space<hbm>> -> memref<1x64xf32, #tpu.memory_space<hbm>>
      tpu.enqueue_dma source(%dma_start3A_338 : memref<1x64xf32, #tpu.memory_space<hbm>>) target(%dma_start3A_336 : memref<1x64xf32, #tpu.memory_space<vmem>>) target_semaphore(%arg13 : memref<!tpu.dma_semaphore, #tpu.memory_space<semaphore_mem>>)
      %slice3A_339 = vector.extract_strided_slice %get3A_54 {offsets = [10], sizes = [1], strides = [1]} : vector<16xi32> to vector<1xi32>
      %squeeze3A_340 = vector.extract %slice3A_339[0] : i32 from vector<1xi32>
      %mul3A_341 = arith.constant 16 : i32
      %mul3A_342 = arith.muli %scan3A_47, %mul3A_341 : i32
      %add3A_343 = arith.constant 10 : i32
      %add3A_344 = arith.addi %mul3A_342, %add3A_343 : i32
      %dma_start3A_345 = arith.constant 0 : i32
      %dma_start3A_346 = tpu.memref_slice %arg10[%add3A_344, %dma_start3A_345] : memref<256x64xf32, #tpu.memory_space<vmem>> -> memref<1x64xf32, #tpu.memory_space<vmem>>
      %dma_start3A_347 = arith.constant 0 : i32
      %dma_start3A_348 = tpu.memref_slice %arg4[%squeeze3A_340, %dma_start3A_347] : memref<1000000x64xf32, #tpu.memory_space<hbm>> -> memref<1x64xf32, #tpu.memory_space<hbm>>
      %dma_start3A_349 = arith.constant 0 : i32
      %dma_start3A_350 = tpu.memref_slice %arg10[%add3A_344, %dma_start3A_349] : memref<256x64xf32, #tpu.memory_space<vmem>> -> memref<1x64xf32, #tpu.memory_space<vmem>>
      %dma_start3A_351 = arith.constant 0 : i32
      %dma_start3A_352 = tpu.memref_slice %arg4[%squeeze3A_340, %dma_start3A_351] : memref<1000000x64xf32, #tpu.memory_space<hbm>> -> memref<1x64xf32, #tpu.memory_space<hbm>>
      tpu.enqueue_dma source(%dma_start3A_352 : memref<1x64xf32, #tpu.memory_space<hbm>>) target(%dma_start3A_350 : memref<1x64xf32, #tpu.memory_space<vmem>>) target_semaphore(%arg12 : memref<!tpu.dma_semaphore, #tpu.memory_space<semaphore_mem>>)
      %slice3A_353 = vector.extract_strided_slice %get3A_61 {offsets = [10], sizes = [1], strides = [1]} : vector<16xi32> to vector<1xi32>
      %squeeze3A_354 = vector.extract %slice3A_353[0] : i32 from vector<1xi32>
      %mul3A_355 = arith.constant 16 : i32
      %mul3A_356 = arith.muli %scan3A_47, %mul3A_355 : i32
      %add3A_357 = arith.constant 10 : i32
      %add3A_358 = arith.addi %mul3A_356, %add3A_357 : i32
      %dma_start3A_359 = arith.constant 0 : i32
      %dma_start3A_360 = tpu.memref_slice %arg11[%add3A_358, %dma_start3A_359] : memref<256x64xf32, #tpu.memory_space<vmem>> -> memref<1x64xf32, #tpu.memory_space<vmem>>
      %dma_start3A_361 = arith.constant 0 : i32
      %dma_start3A_362 = tpu.memref_slice %arg5[%squeeze3A_354, %dma_start3A_361] : memref<1000000x64xf32, #tpu.memory_space<hbm>> -> memref<1x64xf32, #tpu.memory_space<hbm>>
      %dma_start3A_363 = arith.constant 0 : i32
      %dma_start3A_364 = tpu.memref_slice %arg11[%add3A_358, %dma_start3A_363] : memref<256x64xf32, #tpu.memory_space<vmem>> -> memref<1x64xf32, #tpu.memory_space<vmem>>
      %dma_start3A_365 = arith.constant 0 : i32
      %dma_start3A_366 = tpu.memref_slice %arg5[%squeeze3A_354, %dma_start3A_365] : memref<1000000x64xf32, #tpu.memory_space<hbm>> -> memref<1x64xf32, #tpu.memory_space<hbm>>
      tpu.enqueue_dma source(%dma_start3A_366 : memref<1x64xf32, #tpu.memory_space<hbm>>) target(%dma_start3A_364 : memref<1x64xf32, #tpu.memory_space<vmem>>) target_semaphore(%arg13 : memref<!tpu.dma_semaphore, #tpu.memory_space<semaphore_mem>>)
      %slice3A_367 = vector.extract_strided_slice %get3A_54 {offsets = [11], sizes = [1], strides = [1]} : vector<16xi32> to vector<1xi32>
      %squeeze3A_368 = vector.extract %slice3A_367[0] : i32 from vector<1xi32>
      %mul3A_369 = arith.constant 16 : i32
      %mul3A_370 = arith.muli %scan3A_47, %mul3A_369 : i32
      %add3A_371 = arith.constant 11 : i32
      %add3A_372 = arith.addi %mul3A_370, %add3A_371 : i32
      %dma_start3A_373 = arith.constant 0 : i32
      %dma_start3A_374 = tpu.memref_slice %arg10[%add3A_372, %dma_start3A_373] : memref<256x64xf32, #tpu.memory_space<vmem>> -> memref<1x64xf32, #tpu.memory_space<vmem>>
      %dma_start3A_375 = arith.constant 0 : i32
      %dma_start3A_376 = tpu.memref_slice %arg4[%squeeze3A_368, %dma_start3A_375] : memref<1000000x64xf32, #tpu.memory_space<hbm>> -> memref<1x64xf32, #tpu.memory_space<hbm>>
      %dma_start3A_377 = arith.constant 0 : i32
      %dma_start3A_378 = tpu.memref_slice %arg10[%add3A_372, %dma_start3A_377] : memref<256x64xf32, #tpu.memory_space<vmem>> -> memref<1x64xf32, #tpu.memory_space<vmem>>
      %dma_start3A_379 = arith.constant 0 : i32
      %dma_start3A_380 = tpu.memref_slice %arg4[%squeeze3A_368, %dma_start3A_379] : memref<1000000x64xf32, #tpu.memory_space<hbm>> -> memref<1x64xf32, #tpu.memory_space<hbm>>
      tpu.enqueue_dma source(%dma_start3A_380 : memref<1x64xf32, #tpu.memory_space<hbm>>) target(%dma_start3A_378 : memref<1x64xf32, #tpu.memory_space<vmem>>) target_semaphore(%arg12 : memref<!tpu.dma_semaphore, #tpu.memory_space<semaphore_mem>>)
      %slice3A_381 = vector.extract_strided_slice %get3A_61 {offsets = [11], sizes = [1], strides = [1]} : vector<16xi32> to vector<1xi32>
      %squeeze3A_382 = vector.extract %slice3A_381[0] : i32 from vector<1xi32>
      %mul3A_383 = arith.constant 16 : i32
      %mul3A_384 = arith.muli %scan3A_47, %mul3A_383 : i32
      %add3A_385 = arith.constant 11 : i32
      %add3A_386 = arith.addi %mul3A_384, %add3A_385 : i32
      %dma_start3A_387 = arith.constant 0 : i32
      %dma_start3A_388 = tpu.memref_slice %arg11[%add3A_386, %dma_start3A_387] : memref<256x64xf32, #tpu.memory_space<vmem>> -> memref<1x64xf32, #tpu.memory_space<vmem>>
      %dma_start3A_389 = arith.constant 0 : i32
      %dma_start3A_390 = tpu.memref_slice %arg5[%squeeze3A_382, %dma_start3A_389] : memref<1000000x64xf32, #tpu.memory_space<hbm>> -> memref<1x64xf32, #tpu.memory_space<hbm>>
      %dma_start3A_391 = arith.constant 0 : i32
      %dma_start3A_392 = tpu.memref_slice %arg11[%add3A_386, %dma_start3A_391] : memref<256x64xf32, #tpu.memory_space<vmem>> -> memref<1x64xf32, #tpu.memory_space<vmem>>
      %dma_start3A_393 = arith.constant 0 : i32
      %dma_start3A_394 = tpu.memref_slice %arg5[%squeeze3A_382, %dma_start3A_393] : memref<1000000x64xf32, #tpu.memory_space<hbm>> -> memref<1x64xf32, #tpu.memory_space<hbm>>
      tpu.enqueue_dma source(%dma_start3A_394 : memref<1x64xf32, #tpu.memory_space<hbm>>) target(%dma_start3A_392 : memref<1x64xf32, #tpu.memory_space<vmem>>) target_semaphore(%arg13 : memref<!tpu.dma_semaphore, #tpu.memory_space<semaphore_mem>>)
      %slice3A_395 = vector.extract_strided_slice %get3A_54 {offsets = [12], sizes = [1], strides = [1]} : vector<16xi32> to vector<1xi32>
      %squeeze3A_396 = vector.extract %slice3A_395[0] : i32 from vector<1xi32>
      %mul3A_397 = arith.constant 16 : i32
      %mul3A_398 = arith.muli %scan3A_47, %mul3A_397 : i32
      %add3A_399 = arith.constant 12 : i32
      %add3A_400 = arith.addi %mul3A_398, %add3A_399 : i32
      %dma_start3A_401 = arith.constant 0 : i32
      %dma_start3A_402 = tpu.memref_slice %arg10[%add3A_400, %dma_start3A_401] : memref<256x64xf32, #tpu.memory_space<vmem>> -> memref<1x64xf32, #tpu.memory_space<vmem>>
      %dma_start3A_403 = arith.constant 0 : i32
      %dma_start3A_404 = tpu.memref_slice %arg4[%squeeze3A_396, %dma_start3A_403] : memref<1000000x64xf32, #tpu.memory_space<hbm>> -> memref<1x64xf32, #tpu.memory_space<hbm>>
      %dma_start3A_405 = arith.constant 0 : i32
      %dma_start3A_406 = tpu.memref_slice %arg10[%add3A_400, %dma_start3A_405] : memref<256x64xf32, #tpu.memory_space<vmem>> -> memref<1x64xf32, #tpu.memory_space<vmem>>
      %dma_start3A_407 = arith.constant 0 : i32
      %dma_start3A_408 = tpu.memref_slice %arg4[%squeeze3A_396, %dma_start3A_407] : memref<1000000x64xf32, #tpu.memory_space<hbm>> -> memref<1x64xf32, #tpu.memory_space<hbm>>
      tpu.enqueue_dma source(%dma_start3A_408 : memref<1x64xf32, #tpu.memory_space<hbm>>) target(%dma_start3A_406 : memref<1x64xf32, #tpu.memory_space<vmem>>) target_semaphore(%arg12 : memref<!tpu.dma_semaphore, #tpu.memory_space<semaphore_mem>>)
      %slice3A_409 = vector.extract_strided_slice %get3A_61 {offsets = [12], sizes = [1], strides = [1]} : vector<16xi32> to vector<1xi32>
      %squeeze3A_410 = vector.extract %slice3A_409[0] : i32 from vector<1xi32>
      %mul3A_411 = arith.constant 16 : i32
      %mul3A_412 = arith.muli %scan3A_47, %mul3A_411 : i32
      %add3A_413 = arith.constant 12 : i32
      %add3A_414 = arith.addi %mul3A_412, %add3A_413 : i32
      %dma_start3A_415 = arith.constant 0 : i32
      %dma_start3A_416 = tpu.memref_slice %arg11[%add3A_414, %dma_start3A_415] : memref<256x64xf32, #tpu.memory_space<vmem>> -> memref<1x64xf32, #tpu.memory_space<vmem>>
      %dma_start3A_417 = arith.constant 0 : i32
      %dma_start3A_418 = tpu.memref_slice %arg5[%squeeze3A_410, %dma_start3A_417] : memref<1000000x64xf32, #tpu.memory_space<hbm>> -> memref<1x64xf32, #tpu.memory_space<hbm>>
      %dma_start3A_419 = arith.constant 0 : i32
      %dma_start3A_420 = tpu.memref_slice %arg11[%add3A_414, %dma_start3A_419] : memref<256x64xf32, #tpu.memory_space<vmem>> -> memref<1x64xf32, #tpu.memory_space<vmem>>
      %dma_start3A_421 = arith.constant 0 : i32
      %dma_start3A_422 = tpu.memref_slice %arg5[%squeeze3A_410, %dma_start3A_421] : memref<1000000x64xf32, #tpu.memory_space<hbm>> -> memref<1x64xf32, #tpu.memory_space<hbm>>
      tpu.enqueue_dma source(%dma_start3A_422 : memref<1x64xf32, #tpu.memory_space<hbm>>) target(%dma_start3A_420 : memref<1x64xf32, #tpu.memory_space<vmem>>) target_semaphore(%arg13 : memref<!tpu.dma_semaphore, #tpu.memory_space<semaphore_mem>>)
      %slice3A_423 = vector.extract_strided_slice %get3A_54 {offsets = [13], sizes = [1], strides = [1]} : vector<16xi32> to vector<1xi32>
      %squeeze3A_424 = vector.extract %slice3A_423[0] : i32 from vector<1xi32>
      %mul3A_425 = arith.constant 16 : i32
      %mul3A_426 = arith.muli %scan3A_47, %mul3A_425 : i32
      %add3A_427 = arith.constant 13 : i32
      %add3A_428 = arith.addi %mul3A_426, %add3A_427 : i32
      %dma_start3A_429 = arith.constant 0 : i32
      %dma_start3A_430 = tpu.memref_slice %arg10[%add3A_428, %dma_start3A_429] : memref<256x64xf32, #tpu.memory_space<vmem>> -> memref<1x64xf32, #tpu.memory_space<vmem>>
      %dma_start3A_431 = arith.constant 0 : i32
      %dma_start3A_432 = tpu.memref_slice %arg4[%squeeze3A_424, %dma_start3A_431] : memref<1000000x64xf32, #tpu.memory_space<hbm>> -> memref<1x64xf32, #tpu.memory_space<hbm>>
      %dma_start3A_433 = arith.constant 0 : i32
      %dma_start3A_434 = tpu.memref_slice %arg10[%add3A_428, %dma_start3A_433] : memref<256x64xf32, #tpu.memory_space<vmem>> -> memref<1x64xf32, #tpu.memory_space<vmem>>
      %dma_start3A_435 = arith.constant 0 : i32
      %dma_start3A_436 = tpu.memref_slice %arg4[%squeeze3A_424, %dma_start3A_435] : memref<1000000x64xf32, #tpu.memory_space<hbm>> -> memref<1x64xf32, #tpu.memory_space<hbm>>
      tpu.enqueue_dma source(%dma_start3A_436 : memref<1x64xf32, #tpu.memory_space<hbm>>) target(%dma_start3A_434 : memref<1x64xf32, #tpu.memory_space<vmem>>) target_semaphore(%arg12 : memref<!tpu.dma_semaphore, #tpu.memory_space<semaphore_mem>>)
      %slice3A_437 = vector.extract_strided_slice %get3A_61 {offsets = [13], sizes = [1], strides = [1]} : vector<16xi32> to vector<1xi32>
      %squeeze3A_438 = vector.extract %slice3A_437[0] : i32 from vector<1xi32>
      %mul3A_439 = arith.constant 16 : i32
      %mul3A_440 = arith.muli %scan3A_47, %mul3A_439 : i32
      %add3A_441 = arith.constant 13 : i32
      %add3A_442 = arith.addi %mul3A_440, %add3A_441 : i32
      %dma_start3A_443 = arith.constant 0 : i32
      %dma_start3A_444 = tpu.memref_slice %arg11[%add3A_442, %dma_start3A_443] : memref<256x64xf32, #tpu.memory_space<vmem>> -> memref<1x64xf32, #tpu.memory_space<vmem>>
      %dma_start3A_445 = arith.constant 0 : i32
      %dma_start3A_446 = tpu.memref_slice %arg5[%squeeze3A_438, %dma_start3A_445] : memref<1000000x64xf32, #tpu.memory_space<hbm>> -> memref<1x64xf32, #tpu.memory_space<hbm>>
      %dma_start3A_447 = arith.constant 0 : i32
      %dma_start3A_448 = tpu.memref_slice %arg11[%add3A_442, %dma_start3A_447] : memref<256x64xf32, #tpu.memory_space<vmem>> -> memref<1x64xf32, #tpu.memory_space<vmem>>
      %dma_start3A_449 = arith.constant 0 : i32
      %dma_start3A_450 = tpu.memref_slice %arg5[%squeeze3A_438, %dma_start3A_449] : memref<1000000x64xf32, #tpu.memory_space<hbm>> -> memref<1x64xf32, #tpu.memory_space<hbm>>
      tpu.enqueue_dma source(%dma_start3A_450 : memref<1x64xf32, #tpu.memory_space<hbm>>) target(%dma_start3A_448 : memref<1x64xf32, #tpu.memory_space<vmem>>) target_semaphore(%arg13 : memref<!tpu.dma_semaphore, #tpu.memory_space<semaphore_mem>>)
      %slice3A_451 = vector.extract_strided_slice %get3A_54 {offsets = [14], sizes = [1], strides = [1]} : vector<16xi32> to vector<1xi32>
      %squeeze3A_452 = vector.extract %slice3A_451[0] : i32 from vector<1xi32>
      %mul3A_453 = arith.constant 16 : i32
      %mul3A_454 = arith.muli %scan3A_47, %mul3A_453 : i32
      %add3A_455 = arith.constant 14 : i32
      %add3A_456 = arith.addi %mul3A_454, %add3A_455 : i32
      %dma_start3A_457 = arith.constant 0 : i32
      %dma_start3A_458 = tpu.memref_slice %arg10[%add3A_456, %dma_start3A_457] : memref<256x64xf32, #tpu.memory_space<vmem>> -> memref<1x64xf32, #tpu.memory_space<vmem>>
      %dma_start3A_459 = arith.constant 0 : i32
      %dma_start3A_460 = tpu.memref_slice %arg4[%squeeze3A_452, %dma_start3A_459] : memref<1000000x64xf32, #tpu.memory_space<hbm>> -> memref<1x64xf32, #tpu.memory_space<hbm>>
      %dma_start3A_461 = arith.constant 0 : i32
      %dma_start3A_462 = tpu.memref_slice %arg10[%add3A_456, %dma_start3A_461] : memref<256x64xf32, #tpu.memory_space<vmem>> -> memref<1x64xf32, #tpu.memory_space<vmem>>
      %dma_start3A_463 = arith.constant 0 : i32
      %dma_start3A_464 = tpu.memref_slice %arg4[%squeeze3A_452, %dma_start3A_463] : memref<1000000x64xf32, #tpu.memory_space<hbm>> -> memref<1x64xf32, #tpu.memory_space<hbm>>
      tpu.enqueue_dma source(%dma_start3A_464 : memref<1x64xf32, #tpu.memory_space<hbm>>) target(%dma_start3A_462 : memref<1x64xf32, #tpu.memory_space<vmem>>) target_semaphore(%arg12 : memref<!tpu.dma_semaphore, #tpu.memory_space<semaphore_mem>>)
      %slice3A_465 = vector.extract_strided_slice %get3A_61 {offsets = [14], sizes = [1], strides = [1]} : vector<16xi32> to vector<1xi32>
      %squeeze3A_466 = vector.extract %slice3A_465[0] : i32 from vector<1xi32>
      %mul3A_467 = arith.constant 16 : i32
      %mul3A_468 = arith.muli %scan3A_47, %mul3A_467 : i32
      %add3A_469 = arith.constant 14 : i32
      %add3A_470 = arith.addi %mul3A_468, %add3A_469 : i32
      %dma_start3A_471 = arith.constant 0 : i32
      %dma_start3A_472 = tpu.memref_slice %arg11[%add3A_470, %dma_start3A_471] : memref<256x64xf32, #tpu.memory_space<vmem>> -> memref<1x64xf32, #tpu.memory_space<vmem>>
      %dma_start3A_473 = arith.constant 0 : i32
      %dma_start3A_474 = tpu.memref_slice %arg5[%squeeze3A_466, %dma_start3A_473] : memref<1000000x64xf32, #tpu.memory_space<hbm>> -> memref<1x64xf32, #tpu.memory_space<hbm>>
      %dma_start3A_475 = arith.constant 0 : i32
      %dma_start3A_476 = tpu.memref_slice %arg11[%add3A_470, %dma_start3A_475] : memref<256x64xf32, #tpu.memory_space<vmem>> -> memref<1x64xf32, #tpu.memory_space<vmem>>
      %dma_start3A_477 = arith.constant 0 : i32
      %dma_start3A_478 = tpu.memref_slice %arg5[%squeeze3A_466, %dma_start3A_477] : memref<1000000x64xf32, #tpu.memory_space<hbm>> -> memref<1x64xf32, #tpu.memory_space<hbm>>
      tpu.enqueue_dma source(%dma_start3A_478 : memref<1x64xf32, #tpu.memory_space<hbm>>) target(%dma_start3A_476 : memref<1x64xf32, #tpu.memory_space<vmem>>) target_semaphore(%arg13 : memref<!tpu.dma_semaphore, #tpu.memory_space<semaphore_mem>>)
      %slice3A_479 = vector.extract_strided_slice %get3A_54 {offsets = [15], sizes = [1], strides = [1]} : vector<16xi32> to vector<1xi32>
      %squeeze3A_480 = vector.extract %slice3A_479[0] : i32 from vector<1xi32>
      %mul3A_481 = arith.constant 16 : i32
      %mul3A_482 = arith.muli %scan3A_47, %mul3A_481 : i32
      %add3A_483 = arith.constant 15 : i32
      %add3A_484 = arith.addi %mul3A_482, %add3A_483 : i32
      %dma_start3A_485 = arith.constant 0 : i32
      %dma_start3A_486 = tpu.memref_slice %arg10[%add3A_484, %dma_start3A_485] : memref<256x64xf32, #tpu.memory_space<vmem>> -> memref<1x64xf32, #tpu.memory_space<vmem>>
      %dma_start3A_487 = arith.constant 0 : i32
      %dma_start3A_488 = tpu.memref_slice %arg4[%squeeze3A_480, %dma_start3A_487] : memref<1000000x64xf32, #tpu.memory_space<hbm>> -> memref<1x64xf32, #tpu.memory_space<hbm>>
      %dma_start3A_489 = arith.constant 0 : i32
      %dma_start3A_490 = tpu.memref_slice %arg10[%add3A_484, %dma_start3A_489] : memref<256x64xf32, #tpu.memory_space<vmem>> -> memref<1x64xf32, #tpu.memory_space<vmem>>
      %dma_start3A_491 = arith.constant 0 : i32
      %dma_start3A_492 = tpu.memref_slice %arg4[%squeeze3A_480, %dma_start3A_491] : memref<1000000x64xf32, #tpu.memory_space<hbm>> -> memref<1x64xf32, #tpu.memory_space<hbm>>
      tpu.enqueue_dma source(%dma_start3A_492 : memref<1x64xf32, #tpu.memory_space<hbm>>) target(%dma_start3A_490 : memref<1x64xf32, #tpu.memory_space<vmem>>) target_semaphore(%arg12 : memref<!tpu.dma_semaphore, #tpu.memory_space<semaphore_mem>>)
      %slice3A_493 = vector.extract_strided_slice %get3A_61 {offsets = [15], sizes = [1], strides = [1]} : vector<16xi32> to vector<1xi32>
      %squeeze3A_494 = vector.extract %slice3A_493[0] : i32 from vector<1xi32>
      %mul3A_495 = arith.constant 16 : i32
      %mul3A_496 = arith.muli %scan3A_47, %mul3A_495 : i32
      %add3A_497 = arith.constant 15 : i32
      %add3A_498 = arith.addi %mul3A_496, %add3A_497 : i32
      %dma_start3A_499 = arith.constant 0 : i32
      %dma_start3A_500 = tpu.memref_slice %arg11[%add3A_498, %dma_start3A_499] : memref<256x64xf32, #tpu.memory_space<vmem>> -> memref<1x64xf32, #tpu.memory_space<vmem>>
      %dma_start3A_501 = arith.constant 0 : i32
      %dma_start3A_502 = tpu.memref_slice %arg5[%squeeze3A_494, %dma_start3A_501] : memref<1000000x64xf32, #tpu.memory_space<hbm>> -> memref<1x64xf32, #tpu.memory_space<hbm>>
      %dma_start3A_503 = arith.constant 0 : i32
      %dma_start3A_504 = tpu.memref_slice %arg11[%add3A_498, %dma_start3A_503] : memref<256x64xf32, #tpu.memory_space<vmem>> -> memref<1x64xf32, #tpu.memory_space<vmem>>
      %dma_start3A_505 = arith.constant 0 : i32
      %dma_start3A_506 = tpu.memref_slice %arg5[%squeeze3A_494, %dma_start3A_505] : memref<1000000x64xf32, #tpu.memory_space<hbm>> -> memref<1x64xf32, #tpu.memory_space<hbm>>
      tpu.enqueue_dma source(%dma_start3A_506 : memref<1x64xf32, #tpu.memory_space<hbm>>) target(%dma_start3A_504 : memref<1x64xf32, #tpu.memory_space<vmem>>) target_semaphore(%arg13 : memref<!tpu.dma_semaphore, #tpu.memory_space<semaphore_mem>>)
      %scan3A_507 = arith.constant 0 : i32
      scf.yield %scan3A_507 : i32
    }
    %scan3A_30 = arith.constant 16 : i32
    %dma_wait3A_31 = arith.constant 0 : i32
    %dma_wait3A_32 = arith.constant 0 : i32
    %dma_wait3A_33 = tpu.memref_slice %arg4[%dma_wait3A_31, %dma_wait3A_32] : memref<1000000x64xf32, #tpu.memory_space<hbm>> -> memref<256x64xf32, #tpu.memory_space<hbm>>
    %dma_wait3A_34 = arith.constant 0 : i32
    %dma_wait3A_35 = arith.constant 0 : i32
    %dma_wait3A_36 = tpu.memref_slice %arg4[%dma_wait3A_34, %dma_wait3A_35] : memref<1000000x64xf32, #tpu.memory_space<hbm>> -> memref<256x64xf32, #tpu.memory_space<hbm>>
    tpu.wait_dma2 semaphore(%arg12 : memref<!tpu.dma_semaphore, #tpu.memory_space<semaphore_mem>>) src(%dma_wait3A_36 : memref<256x64xf32, #tpu.memory_space<hbm>>) dst(%arg10 : memref<256x64xf32, #tpu.memory_space<vmem>>)
    %dma_wait3A_37 = arith.constant 0 : i32
    %dma_wait3A_38 = arith.constant 0 : i32
    %dma_wait3A_39 = tpu.memref_slice %arg5[%dma_wait3A_37, %dma_wait3A_38] : memref<1000000x64xf32, #tpu.memory_space<hbm>> -> memref<256x64xf32, #tpu.memory_space<hbm>>
    %dma_wait3A_40 = arith.constant 0 : i32
    %dma_wait3A_41 = arith.constant 0 : i32
    %dma_wait3A_42 = tpu.memref_slice %arg5[%dma_wait3A_40, %dma_wait3A_41] : memref<1000000x64xf32, #tpu.memory_space<hbm>> -> memref<256x64xf32, #tpu.memory_space<hbm>>
    tpu.wait_dma2 semaphore(%arg13 : memref<!tpu.dma_semaphore, #tpu.memory_space<semaphore_mem>>) src(%dma_wait3A_42 : memref<256x64xf32, #tpu.memory_space<hbm>>) dst(%arg11 : memref<256x64xf32, #tpu.memory_space<vmem>>)
    %add3A_43 = arith.constant 256 : i32
    %add3A_44 = arith.addi %mul3A_2, %add3A_43 : i32
    "tpu.region"() ({
      %run_scoped3A = tpu.sem_alloc : memref<!tpu.dma_semaphore, #tpu.memory_space<semaphore_mem>>
      %dma_start3A = arith.constant 0 : i32
      %dma_start3A_47 = tpu.memref_slice %arg6[%add3A_44, %dma_start3A] : memref<16384x64xf32, #tpu.memory_space<hbm>> -> memref<256x64xf32, #tpu.memory_space<hbm>>
      %dma_start3A_48 = arith.constant 0 : i32
      %dma_start3A_49 = tpu.memref_slice %arg6[%add3A_44, %dma_start3A_48] : memref<16384x64xf32, #tpu.memory_space<hbm>> -> memref<256x64xf32, #tpu.memory_space<hbm>>
      tpu.enqueue_dma source(%arg10 : memref<256x64xf32, #tpu.memory_space<vmem>>) target(%dma_start3A_49 : memref<256x64xf32, #tpu.memory_space<hbm>>) target_semaphore(%run_scoped3A : memref<!tpu.dma_semaphore, #tpu.memory_space<semaphore_mem>>)
      %dma_wait3A_50 = arith.constant 0 : i32
      %dma_wait3A_51 = tpu.memref_slice %arg6[%add3A_44, %dma_wait3A_50] : memref<16384x64xf32, #tpu.memory_space<hbm>> -> memref<256x64xf32, #tpu.memory_space<hbm>>
      %dma_wait3A_52 = arith.constant 0 : i32
      %dma_wait3A_53 = tpu.memref_slice %arg6[%add3A_44, %dma_wait3A_52] : memref<16384x64xf32, #tpu.memory_space<hbm>> -> memref<256x64xf32, #tpu.memory_space<hbm>>
      tpu.wait_dma2 semaphore(%run_scoped3A : memref<!tpu.dma_semaphore, #tpu.memory_space<semaphore_mem>>) src(%arg10 : memref<256x64xf32, #tpu.memory_space<vmem>>) dst(%dma_wait3A_53 : memref<256x64xf32, #tpu.memory_space<hbm>>)
      tpu.yield
    }) : () -> ()
    %add3A_45 = arith.constant 256 : i32
    %add3A_46 = arith.addi %mul3A_2, %add3A_45 : i32
    "tpu.region"() ({
      %run_scoped3A = tpu.sem_alloc : memref<!tpu.dma_semaphore, #tpu.memory_space<semaphore_mem>>
      %dma_start3A = arith.constant 0 : i32
      %dma_start3A_47 = tpu.memref_slice %arg7[%add3A_46, %dma_start3A] : memref<16384x64xf32, #tpu.memory_space<hbm>> -> memref<256x64xf32, #tpu.memory_space<hbm>>
      %dma_start3A_48 = arith.constant 0 : i32
      %dma_start3A_49 = tpu.memref_slice %arg7[%add3A_46, %dma_start3A_48] : memref<16384x64xf32, #tpu.memory_space<hbm>> -> memref<256x64xf32, #tpu.memory_space<hbm>>
      tpu.enqueue_dma source(%arg11 : memref<256x64xf32, #tpu.memory_space<vmem>>) target(%dma_start3A_49 : memref<256x64xf32, #tpu.memory_space<hbm>>) target_semaphore(%run_scoped3A : memref<!tpu.dma_semaphore, #tpu.memory_space<semaphore_mem>>)
      %dma_wait3A_50 = arith.constant 0 : i32
      %dma_wait3A_51 = tpu.memref_slice %arg7[%add3A_46, %dma_wait3A_50] : memref<16384x64xf32, #tpu.memory_space<hbm>> -> memref<256x64xf32, #tpu.memory_space<hbm>>
      %dma_wait3A_52 = arith.constant 0 : i32
      %dma_wait3A_53 = tpu.memref_slice %arg7[%add3A_46, %dma_wait3A_52] : memref<16384x64xf32, #tpu.memory_space<hbm>> -> memref<256x64xf32, #tpu.memory_space<hbm>>
      tpu.wait_dma2 semaphore(%run_scoped3A : memref<!tpu.dma_semaphore, #tpu.memory_space<semaphore_mem>>) src(%arg11 : memref<256x64xf32, #tpu.memory_space<vmem>>) dst(%dma_wait3A_53 : memref<256x64xf32, #tpu.memory_space<hbm>>)
      tpu.yield
    }) : () -> ()
    return
  }
}

</mosaic_0001>

<sc_bundles>
// kernel: kernel.3.cloned.1.call-start
scs
__scs_entry_jumppad:
0x0: {  	(pc) =	sbr.rel $0x88, $3  }
0x1: {  	(tag) =	ssettag $0x0;
	lr =	simm.s32 $0x1  }
0x2: {  	[smem:$0x3F9D] =	sst lr;
	_ =	strace $0xD0000000  }
0x3: {  	_ = 	snop  }
0x4: {  	_ = 	snop  }
0x5: {  	_ = 	snop  }
0x6: {  	_ = 	snop  }
0x7: {  	_ = 	snop  }
__scs_overlays_trampoline_lowered:
0x8: {  	[smem:$0x3FAC] =	sst s0  }
0x9: {  	[smem:$0x3FAD] =	sst s1  }
0xa: {  	[smem:$0x3FAE] =	sst s2  }
0xb: {  	[smem:$0x3FAF] =	sst s3  }
0xc: {  	[smem:$0x3FB0] =	sst s4  }
0xd: {  	[smem:$0x3FB1] =	sst s5  }
0xe: {  	[smem:$0x3FB2] =	sst s6  }
0xf: {  	[smem:$0x3FB3] =	sst s7  }
0x10: {  	[smem:$0x3FB4] =	sst s8  }
0x11: {  	[smem:$0x3FB5] =	sst s9;
	s0 =	simm.s32 @!p0 $0x0  }
0x12: {  	s1 =	sld [smem:$0x3F9B];
	s0 =	simm.s32 @p0 $0x1  }
0x13: {  	[smem:$0x3FB6] =	sst s0;
	s0 =	simm.s32 @!p1 $0x0  }
0x14: {  	s2 =	sld [smem:$0x3F9A];
	s0 =	simm.s32 @p1 $0x1  }
0x15: {  	[smem:$0x3FB7] =	sst s0;
	s0 =	simm.s32 @!p2 $0x0  }
0x16: {  	s3 =	sld [smem:$0x3FDB];
	s0 =	simm.s32 @p2 $0x1  }
0x17: {  	s4 =	simm.s32 $0x1BF5;
	[smem:$0x3FB9] =	sst s0  }
0x18: {  	s0 =	sld [smem:$0x3F9C];
	_ =	swait.ge [sflag:s4], $0x0  }
0x19: {  	s7 =	sld [smem:$0x3F9D]  }
0x1a: {  	s8 =	sadd.s32 $0xFFFFE003, lr  }
0x1b: {  	s9 =	sadd.s32 $0xFFFFFEF7, lr;
	s5 =	simm.s32 $0xFFFFFFFF;
	p2 =	slt.u32 s8, $0xFFFFF086  }
0x1c: {  	p1 =	slt.u32 s9, $0xF7A;
	s5 =	simm.s32 @!p2 $0x0  }
0x1d: {  	s5 =	simm.s32 @p1 $0x1;
	p0 =	seq.s32 s7, s2  }
0x1e: {  	s7 =	smul.u32 @!p0 $0xF7A, s2;
	p2 =	seq.s32 @!p0 s5, $0x0  }
0x1f: {  	s9 =	smul.u32 $0xF7A, s1;
	s8 =	simm.s32 @!p0 $0x1BF5;
	p2 =	por !p2, p0  }
0x20: {  	[sflag:s8] =	ssyncset.s32 @!p0 $0xFFFFF086;
	s6 =	sadd.s32 @!p0 s3, s7;
	s7 =	simm.s32 @!p0 $0x108  }
0x21: {  	s3 =	sadd.s32 s3, s9;
	s6 =	sadd.s32 @!p0 $0x88, s6;
	s7 =	simm.s32 @p2 $0x1082  }
0x22: {  	[simem:s7], [sflag:s8] =	dma.local @!p0 [hbm:s6], $0xF7A  }
0x23: {  	s9 =	sor.u32 $0xD0000000, s2;
	s6 =	simm.s32 $0x108;
	_ =	swait.ge @!p0 [sflag:s8], $0x0  }
0x24: {  	s3 =	sadd.s32 $0x88, s3;
	s6 =	simm.s32 @!p1 $0x1082;
	[sflag:s4] =	ssyncset.s32 $0xFFFFF086  }
0x25: {  	[simem:s6], [sflag:s4] =	dma.local [hbm:s3], $0xF7A  }
0x26: {  	[smem:$0x3F9D] =	sst s1;
	(tag) =	ssettag s2;
	_ =	strace s9  }
0x27: {  	s1 =	sld [smem:$0x3FAD]  }
0x28: {  	s2 =	sld [smem:$0x3FAE]  }
0x29: {  	s4 =	sld [smem:$0x3FB0]  }
0x2a: {  	p0 =	seq.s32 s5, $0x0;
	s5 =	sld [smem:$0x3FB1]  }
0x2b: {  	s6 =	sld [smem:$0x3FB2]  }
0x2c: {  	s7 =	sld [smem:$0x3FB3]  }
0x2d: {  	s3 =	simm.s32 $0x108;
	s8 =	sld [smem:$0x3FB4]  }
0x2e: {  	s3 =	simm.s32 @!p0 $0x1082;
	s9 =	sld [smem:$0x3FB5]  }
0x2f: {  	lr =	sadd.s32 s0, s3;
	s0 =	sld [smem:$0x3FAC]  }
0x30: {  	s3 =	sld [smem:$0x3FAF]  }
0x31: {  	[smem:$0x3FB8] =	sst s10  }
0x32: {  	s10 =	sld [smem:$0x3FB6];
	_ =	sdelay $0x3  }
0x33: {  	p0 =	seq.s32 s10, $0x1;
	s10 =	sld [smem:$0x3FB8];
	_ =	sdelay $0x3  }
0x34: {  	[smem:$0x3FB8] =	sst s10  }
0x35: {  	s10 =	sld [smem:$0x3FB7];
	_ =	sdelay $0x3  }
0x36: {  	p1 =	seq.s32 s10, $0x1;
	s10 =	sld [smem:$0x3FB8];
	_ =	sdelay $0x3  }
0x37: {  	[smem:$0x3FB8] =	sst s10  }
0x38: {  	s10 =	sld [smem:$0x3FB9]  }
0x39: {  	_ = 	snop;
	(pc) =	sbr.ind lr, $3  }
0x3a: {  	_ = 	snop  }
0x3b: {  	_ = 	snop  }
0x3c: {  	p2 =	seq.s32 s10, $0x1;
	s10 =	sld [smem:$0x3FB8]  }
0x3d: {  	_ =	shalt  }
0x3e: {  	_ =	shalt  }
0x3f: {  	_ =	shalt  }
0x40: {  	_ =	shalt  }
0x41: {  	_ =	shalt  }
0x42: {  	_ =	shalt  }
0x43: {  	_ =	shalt  }
0x44: {  	_ =	shalt  }
0x45: {  	_ =	shalt  }
0x46: {  	_ =	shalt  }
0x47: {  	_ =	shalt  }
0x48: {  	_ =	shalt  }
0x49: {  	_ =	shalt  }
0x4a: {  	_ =	shalt  }
0x4b: {  	_ =	shalt  }
0x4c: {  	_ =	shalt  }
0x4d: {  	_ =	shalt  }
0x4e: {  	_ =	shalt  }
0x4f: {  	_ =	shalt  }
0x50: {  	_ =	shalt  }
0x51: {  	_ =	shalt  }
0x52: {  	_ =	shalt  }
0x53: {  	_ =	shalt  }
0x54: {  	_ =	shalt  }
0x55: {  	_ =	shalt  }
0x56: {  	_ =	shalt  }
0x57: {  	_ =	shalt  }
0x58: {  	_ =	shalt  }
0x59: {  	_ =	shalt  }
0x5a: {  	_ =	shalt  }
0x5b: {  	_ =	shalt  }
0x5c: {  	_ =	shalt  }
0x5d: {  	_ =	shalt  }
0x5e: {  	_ =	shalt  }
0x5f: {  	_ =	shalt  }
0x60: {  	_ =	shalt  }
0x61: {  	_ =	shalt  }
0x62: {  	_ =	shalt  }
0x63: {  	_ =	shalt  }
0x64: {  	_ =	shalt  }
0x65: {  	_ =	shalt  }
0x66: {  	_ =	shalt  }
0x67: {  	_ =	shalt  }
0x68: {  	_ =	shalt  }
0x69: {  	_ =	shalt  }
0x6a: {  	_ =	shalt  }
0x6b: {  	_ =	shalt  }
0x6c: {  	_ =	shalt  }
0x6d: {  	_ =	shalt  }
0x6e: {  	_ =	shalt  }
0x6f: {  	_ =	shalt  }
0x70: {  	_ =	shalt  }
0x71: {  	_ =	shalt  }
0x72: {  	_ =	shalt  }
0x73: {  	_ =	shalt  }
0x74: {  	_ =	shalt  }
0x75: {  	_ =	shalt  }
0x76: {  	_ =	shalt  }
0x77: {  	_ =	shalt  }
0x78: {  	_ =	shalt  }
0x79: {  	_ =	shalt  }
0x7a: {  	_ =	shalt  }
0x7b: {  	_ =	shalt  }
0x7c: {  	_ =	shalt  }
0x7d: {  	_ =	shalt  }
0x7e: {  	_ =	shalt  }
0x7f: {  	_ =	shalt  }
0x80: {  	_ =	shalt  }
0x81: {  	_ =	shalt  }
0x82: {  	_ =	shalt  }
0x83: {  	_ =	shalt  }
0x84: {  	_ =	shalt  }
0x85: {  	_ =	shalt  }
0x86: {  	_ =	shalt  }
0x87: {  	_ =	shalt  }
.Lfunc_end0:
.L_simem_size_0:
called_computation_lowered:
.L_overlay_start_0:
0x88: {  	s2 =	sld [smem:$0x3FD9]  }
0x89: {  	s3 =	sld [smem:$0x3FFE];
	_ =	sdelay $0x1  }
0x8a: {  	s1 =	srdreg.scid  }
0x8b: {  	s0 =	sand.u32 $0x1, s1  }
0x8c: {  	s17 =	sshll.u32 s0, $0xA;
	s2 =	sadd.s32 s3, s2  }
0x8d: {  	s2 =	sadd.s32 s2, s17  }
0x8e: {  	[smem:$0x3FC4] =	sst s2  }
0x8f: {  	_ = 	snop  }
0x90: {  	s2 =	sld [smem:$0x3FC9]  }
0x91: {  	s18 =	sld [smem:$0x3FC8];
	(tm) =	ssettm $0x1  }
0x92: {  	s4 =	sld [smem:$0x3FFB];
	_ =	sdelay $0x3  }
0x93: {  	_ =	strace s4  }
0x94: {  	s4 =	sld [smem:$0x3FFC];
	_ =	sdelay $0x3  }
0x95: {  	_ =	strace s4  }
0x96: {  	s4 =	sld [smem:$0x3FFD];
	_ =	sdelay $0x3  }
0x97: {  	_ =	strace s4  }
0x98: {  	_ =	strace $0x8FFFFFFF  }
0x99: {  	s19 =	sld [smem:$0x3FDB];
	_ =	sdelay $0x1  }
0x9a: {  	s5 =	simm.s32 $_scs_section_size  }
0x9b: {  	s6 =	simm.s32 $_size__tile_overlayer_lowered;
	s7 =	simm.s32 $_tile_overlayer_lowered  }
0x9c: {  	s22 =	simm.s32 $0x1BFF;
	s21 =	sshll.u32 s7, $0x1;
	s4 =	sadd.s32 s5, s19  }
0x9d: {  	s8 =	simm.s32 $0x0;
	s20 =	sshll.u32 s6, $0x1;
	s6 =	sadd.s32 s21, s4  }
0x9e: {  	[timem:s8], [sflag:s22] =	dma.local [hbm:s6], s20  }
0x9f: {  	_ =	swait.ge [sflag:s22], s20  }
0xa0: {  	s5 =	ssub.s32 $0x0, s20;
	[sflag:s22] =	ssyncset.done $0x0  }
0xa1: {  	[sflag:s22] =	ssyncadd.s32 s5;
	_ =	sdelay $0x1  }
0xa2: {  	s23 =	simm.s32 $0x1B8B  }
0xa3: {  	_ =	swait.ge [sflag:s23], $0x1  }
0xa4: {  	[sflag:s23] =	ssyncset.done $0x0  }
0xa5: {  	s25 =	simm.s32 $0x1B8E;
	s24 =	sld [smem:$0x3FFE];
	[sflag:s23] =	ssyncadd.s32 $0xFFFFFFFF  }
0xa6: {  	s26 =	simm.s32 $execute0_lowered;
	[smem:$0x3FD2] =	sst s25  }
0xa7: {  	s6 =	sshll.u32 s26, $0x1;
	_ =	strace $0x80000046;
	[dreg:$0x1] =	wrdreg $0xFFFFFFFF  }
0xa8: {  	s28 =	simm.s32 $_size_execute0_lowered;
	s4 =	sadd.s32 s4, s6;
	[dreg:$0x0] =	wrdreg $0x0  }
0xa9: {  	s6 =	sshll.u32 s28, $0x1;
	[dreg:$0x2] =	wrdreg s4  }
0xaa: {  	[dreg:$0x3] =	wrdreg s6  }
0xab: {  	[dreg:$0x4] =	wrdreg $0xC0  }
0xac: {  	_ =	task [dreg:s8], $0x5FFFF  }
0xad: {  	[dreg:$0x1] =	wrdreg $0xFFFFFFFF  }
0xae: {  	[dreg:$0x0] =	wrdreg $0x60  }
0xaf: {  	[dreg:$0x2] =	wrdreg s2  }
0xb0: {  	[dreg:$0x3] =	wrdreg s18  }
0xb1: {  	[dreg:$0x4] =	wrdreg s24  }
0xb2: {  	[dreg:$0x5] =	wrdreg $0x9  }
0xb3: {  	_ =	task.clear_ibuf [dreg:s8], $0x6FFFF;
	_ =	strace $0x90000046  }
0xb4: {  	s29 =	simm.s32 $0x9;
	_ =	strace $0x80000048  }
0xb5: {  	_ =	swait.ge [sflag:s29], $0x1  }
0xb6: {  	[sflag:s29] =	ssyncadd.s32 $0xFFFFFFFF  }
0xb7: {  	_ =	strace $0x90000048  }
0xb8: {  	_ =	sfence  }
0xb9: {  	s30 =	sld [smem:$0x0];
	_ =	sdelay $0x2  }
0xba: {  	s31 =	sshll.u32 s1, $0xD;
	s1 =	sshrl.u32 s1, $0x2  }
0xbb: {  	s3 =	sand.u32 $0x4000, s31;
	s1 =	sadd.s32 s1, s30  }
0xbc: {  	s0 =	sor.u32 s3, s0;
	s1 =	sshll.u32 s1, $0x11  }
0xbd: {  	s0 =	sor.u32 s1, s0  }
0xbe: {  	s0 =	sadd.s32 $0x8F2B, s0  }
0xbf: {  	[sflag:s0] =	ssyncadd.remote.s32 $0x1  }
0xc0: {  	_ =	sfence.sel $0xFFFF  }
0xc1: {  	[dreg:$0x0] =	wrdreg $0xFFFFFFFF;
	(pc) =	sbr.abs _section_cstart, $3  }
0xc2: {  	[dreg:$0x1] =	wrdreg $0xFFFFFFFF  }
0xc3: {  	_ =	task.clear_ibuf [dreg:s8], $0x2FFFF;
	_ =	strace $0x9FFFFFFF  }
0xc4: {  	(tm) =	ssettm $0x7FFFFFFF  }
0xc5: {  	_ =	shalt  }
tec
execute0_lowered:
.L_overlay_start_1:
0x0: {  	(tag) =	ssettag $0x1  }
0x1: {  	s0 =	rddreg [dreg:$0x0]  }
0x2: {  	s2 =	rddreg [dreg:$0x1]  }
0x3: {  	s5 =	rddreg [dreg:$0x2];
	s6 =	srdreg.scid  }
0x4: {  	s1 =	simm.s32 $0x0;
	s8 =	stileid.u32;
	s6 =	sand.u32 $0x1, s6  }
0x5: {  	s8 =	sshll.u32 s8, $0xA;
	s7 =	ssub.s32 $0x2, s6;
	s6 =	sshll.u32 s6, $0x9  }
0x6: {  	[smem:$0x7FF] =	sst s1;
	s3 =	sadd.s32 $0x800, s5;
	s6 =	sor.u32 s6, s8  }
0x7: {  	s4 =	sadd.s32 $0xF42C00, s5;
	s9 =	sadd.s32 $0x1E85000, s5;
	s8 =	sshrl.u32 s6, $0x3  }
0x8: {  	s5 =	sadd.s32 $0x1EC5000, s5;
	_ =	strace $0x80000047;
	s0 =	sadd.s32 s0, s8  }
0x9: {  	s26 =	sshll.u32 s6, $0x4;
	s25 =	sadd.s32 s2, s8;
	[dreg:$0x16] =	wrdreg s0  }
0xa: {  	s10 =	sshrl.u32 s7, $0x1;
	s28 =	sadd.s32 s9, s26;
	[dreg:$0x17] =	wrdreg s25  }
0xb: {  	s7 =	ssub.s32 s7, s10;
	s29 =	sadd.s32 s5, s26;
	[dreg:$0x18] =	wrdreg s28  }
0xc: {  	s31 =	smax.u32 s7, $0x1;
	[dreg:$0x19] =	wrdreg s29;
	s0 =	sor.u32 $0x1000, s26  }
0xd: {  	[dreg:$0x1c] =	wrdreg s31;
	s30 =	sadd.s32 s9, s0  }
0xe: {  	s0 =	sadd.s32 s5, s0;
	[dreg:$0x1a] =	wrdreg s30  }
0xf: {  	s2 =	simm.s32 $0x0;
	s5 =	simm.s32 $0x3;
	[dreg:$0x1b] =	wrdreg s0  }
.LBB2_1:
0x10: {  	[dreg:$0x1d] =	wrdreg s2  }
0x11: {  	s0 =	rddreg [dreg:$0x16]  }
0x12: {  	[tilespmem:s1], [sflag:$0x3] =	stream.linear.gather [hbm4b:s0+s1], $0x200, $0x38;
	[tilespmem:$0x10400] =	vst v63  }
0x13: {  	_ =	swait.ge [sflag:s5], $0x200  }
0x14: {  	[sflag:s5] =	ssyncset.done $0x0  }
0x15: {  	s12 =	simm.s32 $0x200;
	s13 =	rddreg [dreg:$0x17];
	[sflag:s5] =	ssyncadd.s32 $0xFFFFFE00  }
0x16: {  	[tilespmem:s12], [sflag:$0x3] =	stream.linear.gather [hbm4b:s13+s1], $0x200, $0x38;
	[tilespmem:$0x10400] =	vst v63  }
0x17: {  	_ =	swait.ge [sflag:s5], $0x200  }
0x18: {  	[sflag:s5] =	ssyncset.done $0x0  }
0x19: {  	[sflag:s5] =	ssyncadd.s32 $0xFFFFFE00  }
0x1a: {  	v0 =	vld [tilespmem:s1+$0x0]  }
0x1b: {  	v2 =	vld [tilespmem:s12+$0x0];
	_ =	sdelay $0x3  }
0x1c: {  	v1 =	vshll.u32 v0, $0x4  }
0x1d: {  	v63 =	vshll.u32 v2, $0x4;
	(v2sf) =	vpush v1, $0x0  }
0x1e: {  	(v2sf) =	vpush v63, $0x0;
	_ =	sdelay $0x2  }
0x1f: {  	(v2sf) =	vpush v1, $0x1  }
0x20: {  	(v2sf) =	vpush v63, $0x1;
	_ =	sdelay $0x1  }
0x21: {  	(v2sf) =	vpush v1, $0x2;
	_ =	sdelay $0x1  }
0x22: {  	(v2sf) =	vpush v63, $0x2;
	_ =	sdelay $0x1  }
0x23: {  	s19 =	simm.s32 $0x2000;
	(v2sf) =	vpush v1, $0x3  }
0x24: {  	s18 =	simm.s32 $0x0;
	s6 =	simm.s32 $0x8400;
	s2 =	simm.s32 $0x880  }
0x25: {  	s7 =	simm.s32 $0x400;
	s9 =	simm.s32 $0x600;
	s10 =	simm.s32 $0x580  }
0x26: {  	s16 =	simm.s32 $0x480;
	s21 =	simm.s32 $0x8480;
	s23 =	simm.s32 $0x500  }
0x27: {  	s26 =	simm.s32 $0x8500;
	s28 =	simm.s32 $0xA00;
	s8 =	spop (v2sf);
	(v2sf) =	vpush v63, $0x3  }
0x28: {  	s0 =	simm.s32 $0x8900;
	s8 =	sand.u32 $0x1FFFFFF0, s8;
	s11 =	spop (v2sf)  }
0x29: {  	s5 =	simm.s32 $0x680;
	(v2sf) =	vpush v1, $0x4;
	s8 =	sadd.s32 s3, s8;
	s14 =	sand.u32 $0x1FFFFFF0, s11  }
0x2a: {  	(v2sf) =	vpush v63, $0x4;
	[tilespmem:s7], [sflag:$0x1] =	stream.linear.gather [hbm4b:s8+s1], $0x80, $0x38;
	[tilespmem:$0x10400] =	vst v63  }
0x2b: {  	s15 =	spop (v2sf);
	s7 =	simm.s32 $0x8580;
	s8 =	sadd.s32 s4, s14  }
0x2c: {  	s11 =	sand.u32 $0x1FFFFFF0, s15;
	s12 =	spop (v2sf);
	s14 =	simm.s32 $0x8600  }
0x2d: {  	(v2sf) =	vpush v1, $0x5;
	[tilespmem:s6], [sflag:$0x2] =	stream.linear.gather [hbm4b:s8+s1], $0x80, $0x38;
	[tilespmem:$0x10400] =	vst v63  }
0x2e: {  	s17 =	sadd.s32 s3, s11;
	s20 =	sand.u32 $0x1FFFFFF0, s12;
	s22 =	spop (v2sf);
	(v2sf) =	vpush v63, $0x5  }
0x2f: {  	[tilespmem:s16], [sflag:$0x1] =	stream.linear.gather [hbm4b:s17+s1], $0x80, $0x38;
	[tilespmem:$0x10400] =	vst v63  }
0x30: {  	s11 =	sadd.s32 s4, s20;
	(v2sf) =	vpush v1, $0x6;
	s8 =	sand.u32 $0x1FFFFFF0, s22;
	s24 =	spop (v2sf)  }
0x31: {  	[tilespmem:s21], [sflag:$0x2] =	stream.linear.gather [hbm4b:s11+s1], $0x80, $0x38;
	[tilespmem:$0x10400] =	vst v63  }
0x32: {  	s8 =	sadd.s32 s3, s8;
	s25 =	spop (v2sf);
	s11 =	sand.u32 $0x1FFFFFF0, s24  }
0x33: {  	[tilespmem:s23], [sflag:$0x1] =	stream.linear.gather [hbm4b:s8+s1], $0x80, $0x38;
	[tilespmem:$0x10400] =	vst v63  }
0x34: {  	s12 =	simm.s32 $0x8A00;
	(v2sf) =	vpush v63, $0x6;
	s30 =	sand.u32 $0x1FFFFFF0, s25;
	s29 =	sadd.s32 s4, s11  }
0x35: {  	[tilespmem:s26], [sflag:$0x2] =	stream.linear.gather [hbm4b:s29+s1], $0x80, $0x38;
	[tilespmem:$0x10400] =	vst v63  }
0x36: {  	s13 =	sadd.s32 s3, s30;
	s21 =	simm.s32 $0x8680;
	s31 =	spop (v2sf)  }
0x37: {  	[tilespmem:s10], [sflag:$0x1] =	stream.linear.gather [hbm4b:s13+s1], $0x80, $0x38;
	[tilespmem:$0x10400] =	vst v63  }
0x38: {  	s23 =	simm.s32 $0x700;
	(v2sf) =	vpush v1, $0x7;
	s6 =	sand.u32 $0x1FFFFFF0, s31;
	s15 =	spop (v2sf)  }
0x39: {  	s6 =	sadd.s32 s4, s6;
	s10 =	sand.u32 $0x1FFFFFF0, s15;
	s16 =	spop (v2sf)  }
0x3a: {  	(v2sf) =	vpush v63, $0x7;
	[tilespmem:s7], [sflag:$0x2] =	stream.linear.gather [hbm4b:s6+s1], $0x80, $0x38;
	[tilespmem:$0x10400] =	vst v63  }
0x3b: {  	s13 =	simm.s32 $0xA80;
	(v2sf) =	vpush v1, $0x8;
	s17 =	sadd.s32 s3, s10;
	s20 =	sand.u32 $0x1FFFFFF0, s16  }
0x3c: {  	s22 =	spop (v2sf);
	s10 =	simm.s32 $0x8A80;
	s7 =	sadd.s32 s4, s20  }
0x3d: {  	(v2sf) =	vpush v63, $0x8;
	s24 =	sand.u32 $0x1FFFFFF0, s22;
	s25 =	spop (v2sf);
	s22 =	simm.s32 $0x8780  }
0x3e: {  	[tilespmem:s9], [sflag:$0x1] =	stream.linear.gather [hbm4b:s17+s1], $0x80, $0x38;
	[tilespmem:$0x10400] =	vst v63  }
0x3f: {  	(v2sf) =	vpush v1, $0x9;
	s8 =	sadd.s32 s3, s24;
	s9 =	sand.u32 $0x1FFFFFF0, s25;
	s26 =	spop (v2sf)  }
0x40: {  	[tilespmem:s14], [sflag:$0x2] =	stream.linear.gather [hbm4b:s7+s1], $0x80, $0x38;
	[tilespmem:$0x10400] =	vst v63  }
0x41: {  	(v2sf) =	vpush v63, $0x9;
	s17 =	simm.s32 $0x780;
	s24 =	simm.s32 $0x800;
	s29 =	sadd.s32 s4, s9  }
0x42: {  	[tilespmem:s5], [sflag:$0x1] =	stream.linear.gather [hbm4b:s8+s1], $0x80, $0x38;
	[tilespmem:$0x10400] =	vst v63  }
0x43: {  	s30 =	sand.u32 $0x1FFFFFF0, s26;
	s31 =	spop (v2sf);
	(v2sf) =	vpush v1, $0xA;
	s9 =	simm.s32 $0x8880  }
0x44: {  	[tilespmem:s21], [sflag:$0x2] =	stream.linear.gather [hbm4b:s29+s1], $0x80, $0x38;
	[tilespmem:$0x10400] =	vst v63  }
0x45: {  	s11 =	sadd.s32 s3, s30;
	s14 =	simm.s32 $0x8700;
	(v2sf) =	vpush v63, $0xA;
	s6 =	sand.u32 $0x1FFFFFF0, s31  }
0x46: {  	[tilespmem:s23], [sflag:$0x1] =	stream.linear.gather [hbm4b:s11+s1], $0x80, $0x38;
	[tilespmem:$0x10400] =	vst v63  }
0x47: {  	s6 =	sadd.s32 s4, s6;
	s29 =	simm.s32 $0x8800;
	s15 =	spop (v2sf);
	(v2sf) =	vpush v1, $0xB  }
0x48: {  	[tilespmem:s14], [sflag:$0x2] =	stream.linear.gather [hbm4b:s6+s1], $0x80, $0x38;
	[tilespmem:$0x10400] =	vst v63  }
0x49: {  	s14 =	simm.s32 $0x900;
	s8 =	sand.u32 $0x1FFFFFF0, s15;
	s16 =	spop (v2sf)  }
0x4a: {  	s20 =	sadd.s32 s3, s8;
	s21 =	sand.u32 $0x1FFFFFF0, s16;
	s23 =	spop (v2sf)  }
0x4b: {  	(v2sf) =	vpush v63, $0xB;
	[tilespmem:s17], [sflag:$0x1] =	stream.linear.gather [hbm4b:s20+s1], $0x80, $0x38;
	[tilespmem:$0x10400] =	vst v63  }
0x4c: {  	s8 =	sadd.s32 s4, s21;
	s7 =	sand.u32 $0x1FFFFFF0, s23;
	s25 =	spop (v2sf)  }
0x4d: {  	[tilespmem:s22], [sflag:$0x2] =	stream.linear.gather [hbm4b:s8+s1], $0x80, $0x38;
	[tilespmem:$0x10400] =	vst v63  }
0x4e: {  	(v2sf) =	vpush v1, $0xC;
	s7 =	sadd.s32 s3, s7;
	s26 =	spop (v2sf);
	s8 =	sand.u32 $0x1FFFFFF0, s25  }
0x4f: {  	(v2sf) =	vpush v63, $0xC;
	[tilespmem:s24], [sflag:$0x1] =	stream.linear.gather [hbm4b:s7+s1], $0x80, $0x38;
	[tilespmem:$0x10400] =	vst v63  }
0x50: {  	s31 =	sand.u32 $0x1FFFFFF0, s26;
	s11 =	spop (v2sf);
	s30 =	sadd.s32 s4, s8  }
0x51: {  	[tilespmem:s29], [sflag:$0x2] =	stream.linear.gather [hbm4b:s30+s1], $0x80, $0x38;
	[tilespmem:$0x10400] =	vst v63  }
0x52: {  	s8 =	sadd.s32 s3, s31;
	s15 =	spop (v2sf);
	s7 =	sand.u32 $0x1FFFFFF0, s11  }
0x53: {  	[tilespmem:s2], [sflag:$0x1] =	stream.linear.gather [hbm4b:s8+s1], $0x80, $0x38;
	[tilespmem:$0x10400] =	vst v63  }
0x54: {  	s16 =	spop (v2sf);
	s7 =	sadd.s32 s4, s7;
	s8 =	sand.u32 $0x1FFFFFF0, s15  }
0x55: {  	[tilespmem:s9], [sflag:$0x2] =	stream.linear.gather [hbm4b:s7+s1], $0x80, $0x38;
	[tilespmem:$0x10400] =	vst v63  }
0x56: {  	s20 =	sand.u32 $0x1FFFFFF0, s16;
	s17 =	sadd.s32 s3, s8;
	s21 =	spop (v2sf)  }
0x57: {  	[tilespmem:s14], [sflag:$0x1] =	stream.linear.gather [hbm4b:s17+s1], $0x80, $0x38;
	[tilespmem:$0x10400] =	vst v63  }
0x58: {  	s5 =	simm.s32 $0x8980;
	s22 =	sadd.s32 s4, s20;
	s23 =	sand.u32 $0x1FFFFFF0, s21  }
0x59: {  	[tilespmem:s0], [sflag:$0x2] =	stream.linear.gather [hbm4b:s22+s1], $0x80, $0x38;
	[tilespmem:$0x10400] =	vst v63  }
0x5a: {  	s25 =	simm.s32 $0x980;
	(v2sf) =	vpush v1, $0xD;
	s24 =	spop (v2sf);
	s26 =	sadd.s32 s3, s23  }
0x5b: {  	(v2sf) =	vpush v63, $0xD;
	s29 =	sand.u32 $0x1FFFFFF0, s24;
	s23 =	simm.s32 $0x10;
	s24 =	simm.s32 $0x210  }
0x5c: {  	(v2sf) =	vpush v1, $0xE;
	[tilespmem:s25], [sflag:$0x1] =	stream.linear.gather [hbm4b:s26+s1], $0x80, $0x38;
	[tilespmem:$0x10400] =	vst v63  }
0x5d: {  	s30 =	sadd.s32 s4, s29;
	(v2sf) =	vpush v63, $0xE;
	s31 =	spop (v2sf);
	s26 =	simm.s32 $0xB00  }
0x5e: {  	(v2sf) =	vpush v1, $0xF;
	s25 =	simm.s32 $0x8B00;
	s0 =	sand.u32 $0x1FFFFFF0, s31;
	s2 =	spop (v2sf)  }
0x5f: {  	(v2sf) =	vpush v63, $0xF;
	[tilespmem:s5], [sflag:$0x2] =	stream.linear.gather [hbm4b:s30+s1], $0x80, $0x38;
	[tilespmem:$0x10400] =	vst v63  }
.LBB2_2:
0x60: {  	_ =	sdelay $0x4  }
0x61: {  	s0 =	sadd.s32 s3, s0;
	s2 =	sand.u32 $0x1FFFFFF0, s2  }
0x62: {  	[tilespmem:s28], [sflag:$0x1] =	stream.linear.gather [hbm4b:s0+s1], $0x80, $0x38;
	[tilespmem:$0x10400] =	vst v63  }
0x63: {  	s29 =	sadd.s32 s4, s2  }
0x64: {  	[tilespmem:s12], [sflag:$0x2] =	stream.linear.gather [hbm4b:s29+s1], $0x80, $0x38;
	[tilespmem:$0x10400] =	vst v63  }
0x65: {  	s5 =	spop (v2sf)  }
0x66: {  	s30 =	sand.u32 $0x1FFFFFF0, s5;
	s31 =	spop (v2sf)  }
0x67: {  	s2 =	sadd.s32 s3, s30;
	s5 =	sand.u32 $0x1FFFFFF0, s31;
	s6 =	spop (v2sf)  }
0x68: {  	[tilespmem:s13], [sflag:$0x1] =	stream.linear.gather [hbm4b:s2+s1], $0x80, $0x38;
	[tilespmem:$0x10400] =	vst v63  }
0x69: {  	s7 =	sadd.s32 s4, s5;
	s8 =	sand.u32 $0x1FFFFFF0, s6;
	s9 =	spop (v2sf)  }
0x6a: {  	[tilespmem:s10], [sflag:$0x2] =	stream.linear.gather [hbm4b:s7+s1], $0x80, $0x38;
	[tilespmem:$0x10400] =	vst v63  }
0x6b: {  	s11 =	sand.u32 $0x1FFFFFF0, s9;
	s12 =	spop (v2sf);
	s10 =	sadd.s32 s3, s8  }
0x6c: {  	[tilespmem:s26], [sflag:$0x1] =	stream.linear.gather [hbm4b:s10+s1], $0x80, $0x38;
	[tilespmem:$0x10400] =	vst v63  }
0x6d: {  	s13 =	sadd.s32 s4, s11;
	s14 =	sand.u32 $0x1FFFFFF0, s12;
	s15 =	spop (v2sf)  }
0x6e: {  	[tilespmem:s25], [sflag:$0x2] =	stream.linear.gather [hbm4b:s13+s1], $0x80, $0x38;
	[tilespmem:$0x10400] =	vst v63  }
0x6f: {  	s16 =	sadd.s32 $0xB80, s18;
	s2 =	sadd.s32 s3, s14;
	s5 =	sand.u32 $0x1FFFFFF0, s15  }
0x70: {  	[tilespmem:s16], [sflag:$0x1] =	stream.linear.gather [hbm4b:s2+s1], $0x80, $0x38;
	[tilespmem:$0x10400] =	vst v63  }
0x71: {  	s17 =	sadd.s32 $0x8B80, s18;
	s18 =	sadd.s32 s4, s5  }
0x72: {  	[tilespmem:s17], [sflag:$0x2] =	stream.linear.gather [hbm4b:s18+s1], $0x80, $0x38;
	[tilespmem:$0x10400] =	vst v63  }
0x73: {  	v0 =	vld [tilespmem:s23+$0x0]  }
0x74: {  	v2 =	vld [tilespmem:s24+$0x0];
	_ =	sdelay $0x3  }
0x75: {  	v1 =	vshll.u32 v0, $0x4  }
0x76: {  	s20 =	smov.u32 s19;
	v63 =	vshll.u32 v2, $0x4;
	(v2sf) =	vpush v1, $0x0  }
0x77: {  	s18 =	sshra.s32 s20, $0x2;
	(v2sf) =	vpush v63, $0x0  }
0x78: {  	p0 =	sne.s32 s19, $0x1E000;
	s19 =	sadd.s32 $0x2000, s19;
	s30 =	sadd.s32 $0x8400, s18;
	(v2sf) =	vpush v1, $0x1  }
0x79: {  	s6 =	sadd.s32 $0x680, s18;
	s0 =	sadd.s32 $0x880, s18;
	s29 =	sadd.s32 $0x400, s18  }
0x7a: {  	s13 =	sadd.s32 $0x600, s18;
	s21 =	sadd.s32 $0x8900, s18;
	s12 =	sadd.s32 $0x580, s18;
	(v2sf) =	vpush v63, $0x1  }
0x7b: {  	s17 =	sadd.s32 $0x8580, s18;
	s22 =	sadd.s32 $0x8A00, s18;
	s20 =	sadd.s32 $0x500, s18  }
0x7c: {  	s14 =	sadd.s32 $0x8600, s18;
	s5 =	sadd.s32 $0xA80, s18;
	s31 =	sadd.s32 $0x8480, s18;
	(v2sf) =	vpush v1, $0x2  }
0x7d: {  	s11 =	sadd.s32 $0x8680, s18;
	s10 =	sadd.s32 $0x700, s18;
	[dreg:$0x8] =	wrdreg s0  }
0x7e: {  	s25 =	sadd.s32 $0x8980, s18;
	s26 =	sadd.s32 $0x8A80, s18;
	[dreg:$0x4] =	wrdreg s21;
	(v2sf) =	vpush v63, $0x2  }
0x7f: {  	s9 =	sadd.s32 $0x8700, s18;
	s7 =	sadd.s32 $0x8880, s18;
	[dreg:$0x12] =	wrdreg s22  }
0x80: {  	s8 =	sadd.s32 $0x900, s18;
	s15 =	sadd.s32 $0x8800, s18;
	[dreg:$0x6] =	wrdreg s25;
	(v2sf) =	vpush v1, $0x3  }
0x81: {  	s28 =	sadd.s32 $0xA00, s18;
	s16 =	sadd.s32 $0x800, s18;
	[dreg:$0x14] =	wrdreg s26  }
0x82: {  	s23 =	sadd.s32 $0x10, s23;
	s24 =	sadd.s32 $0x10, s24;
	[dreg:$0xc] =	wrdreg s7;
	(v2sf) =	vpush v63, $0x3  }
0x83: {  	s2 =	sadd.s32 $0x980, s18;
	s0 =	sadd.s32 $0x8500, s18;
	[dreg:$0xa] =	wrdreg s8  }
0x84: {  	s8 =	sadd.s32 $0x780, s18;
	[dreg:$0xe] =	wrdreg s15;
	s15 =	sadd.s32 $0x480, s18;
	(v2sf) =	vpush v1, $0x4  }
0x85: {  	s7 =	sadd.s32 $0x8780, s18;
	[dreg:$0x10] =	wrdreg s16;
	s21 =	spop (v2sf)  }
0x86: {  	s26 =	sadd.s32 $0xB00, s18;
	s21 =	sand.u32 $0x1FFFFFF0, s21;
	s22 =	spop (v2sf);
	(v2sf) =	vpush v63, $0x4  }
0x87: {  	s21 =	sadd.s32 s3, s21;
	s22 =	sand.u32 $0x1FFFFFF0, s22;
	s16 =	spop (v2sf)  }
0x88: {  	(v2sf) =	vpush v1, $0x5;
	[tilespmem:s29], [sflag:$0x1] =	stream.linear.gather [hbm4b:s21+s1], $0x80, $0x38;
	[tilespmem:$0x10400] =	vst v63  }
0x89: {  	s22 =	sadd.s32 s4, s22;
	s16 =	sand.u32 $0x1FFFFFF0, s16;
	s29 =	spop (v2sf);
	(v2sf) =	vpush v63, $0x5  }
0x8a: {  	[tilespmem:s30], [sflag:$0x2] =	stream.linear.gather [hbm4b:s22+s1], $0x80, $0x38;
	[tilespmem:$0x10400] =	vst v63  }
0x8b: {  	s16 =	sadd.s32 s3, s16;
	s29 =	sand.u32 $0x1FFFFFF0, s29;
	s30 =	spop (v2sf);
	(v2sf) =	vpush v1, $0x6  }
0x8c: {  	[tilespmem:s15], [sflag:$0x1] =	stream.linear.gather [hbm4b:s16+s1], $0x80, $0x38;
	[tilespmem:$0x10400] =	vst v63  }
0x8d: {  	s21 =	sand.u32 $0x1FFFFFF0, s30;
	s22 =	spop (v2sf);
	(v2sf) =	vpush v63, $0x6;
	s16 =	sadd.s32 s4, s29  }
0x8e: {  	[tilespmem:s31], [sflag:$0x2] =	stream.linear.gather [hbm4b:s16+s1], $0x80, $0x38;
	[tilespmem:$0x10400] =	vst v63  }
0x8f: {  	s29 =	sadd.s32 s3, s21;
	s30 =	sand.u32 $0x1FFFFFF0, s22;
	s31 =	spop (v2sf)  }
0x90: {  	(v2sf) =	vpush v1, $0x7;
	[tilespmem:s20], [sflag:$0x1] =	stream.linear.gather [hbm4b:s29+s1], $0x80, $0x38;
	[tilespmem:$0x10400] =	vst v63  }
0x91: {  	s21 =	sand.u32 $0x1FFFFFF0, s31;
	s22 =	spop (v2sf);
	s20 =	sadd.s32 s4, s30  }
0x92: {  	(v2sf) =	vpush v63, $0x7;
	[tilespmem:s0], [sflag:$0x2] =	stream.linear.gather [hbm4b:s20+s1], $0x80, $0x38;
	[tilespmem:$0x10400] =	vst v63  }
0x93: {  	s29 =	sadd.s32 s3, s21;
	s30 =	sand.u32 $0x1FFFFFF0, s22;
	s31 =	spop (v2sf)  }
0x94: {  	[tilespmem:s12], [sflag:$0x1] =	stream.linear.gather [hbm4b:s29+s1], $0x80, $0x38;
	[tilespmem:$0x10400] =	vst v63  }
0x95: {  	s21 =	sand.u32 $0x1FFFFFF0, s31;
	s20 =	sadd.s32 s4, s30;
	s22 =	spop (v2sf)  }
0x96: {  	(v2sf) =	vpush v1, $0x8;
	[tilespmem:s17], [sflag:$0x2] =	stream.linear.gather [hbm4b:s20+s1], $0x80, $0x38;
	[tilespmem:$0x10400] =	vst v63  }
0x97: {  	s25 =	sadd.s32 $0x8B00, s18;
	s29 =	sadd.s32 s3, s21;
	s31 =	spop (v2sf)  }
0x98: {  	s12 =	rddreg [dreg:$0x12];
	(v2sf) =	vpush v63, $0x8;
	s30 =	sand.u32 $0x1FFFFFF0, s22;
	s20 =	spop (v2sf)  }
0x99: {  	(v2sf) =	vpush v1, $0x9;
	[tilespmem:s13], [sflag:$0x1] =	stream.linear.gather [hbm4b:s29+s1], $0x80, $0x38;
	[tilespmem:$0x10400] =	vst v63  }
0x9a: {  	s16 =	sadd.s32 s4, s30;
	s17 =	sand.u32 $0x1FFFFFF0, s31;
	s29 =	spop (v2sf)  }
0x9b: {  	(v2sf) =	vpush v63, $0x9;
	[tilespmem:s14], [sflag:$0x2] =	stream.linear.gather [hbm4b:s16+s1], $0x80, $0x38;
	[tilespmem:$0x10400] =	vst v63  }
0x9c: {  	s22 =	sand.u32 $0x1FFFFFF0, s20;
	s13 =	smov.u32 s5;
	s5 =	spop (v2sf)  }
0x9d: {  	s21 =	sadd.s32 s3, s17;
	s30 =	sadd.s32 s4, s22;
	s14 =	sand.u32 $0x1FFFFFF0, s5  }
0x9e: {  	[tilespmem:s6], [sflag:$0x1] =	stream.linear.gather [hbm4b:s21+s1], $0x80, $0x38;
	[tilespmem:$0x10400] =	vst v63  }
0x9f: {  	(v2sf) =	vpush v1, $0xA;
	s31 =	sand.u32 $0x1FFFFFF0, s29;
	s16 =	sadd.s32 s4, s14;
	s15 =	spop (v2sf)  }
0xa0: {  	[tilespmem:s11], [sflag:$0x2] =	stream.linear.gather [hbm4b:s30+s1], $0x80, $0x38;
	[tilespmem:$0x10400] =	vst v63  }
0xa1: {  	(v2sf) =	vpush v63, $0xA;
	s11 =	sadd.s32 s3, s31;
	s17 =	sand.u32 $0x1FFFFFF0, s15;
	s20 =	spop (v2sf)  }
0xa2: {  	[tilespmem:s10], [sflag:$0x1] =	stream.linear.gather [hbm4b:s11+s1], $0x80, $0x38;
	[tilespmem:$0x10400] =	vst v63  }
0xa3: {  	s21 =	sadd.s32 s3, s17;
	s22 =	sand.u32 $0x1FFFFFF0, s20;
	s10 =	rddreg [dreg:$0x14]  }
0xa4: {  	[tilespmem:s9], [sflag:$0x2] =	stream.linear.gather [hbm4b:s16+s1], $0x80, $0x38;
	[tilespmem:$0x10400] =	vst v63  }
0xa5: {  	(v2sf) =	vpush v1, $0xB;
	s29 =	spop (v2sf);
	s30 =	sadd.s32 s4, s22;
	s22 =	rddreg [dreg:$0x8]  }
0xa6: {  	[tilespmem:s8], [sflag:$0x1] =	stream.linear.gather [hbm4b:s21+s1], $0x80, $0x38;
	[tilespmem:$0x10400] =	vst v63  }
0xa7: {  	(v2sf) =	vpush v63, $0xB;
	s31 =	sand.u32 $0x1FFFFFF0, s29;
	s9 =	rddreg [dreg:$0x10];
	s5 =	spop (v2sf)  }
0xa8: {  	(v2sf) =	vpush v1, $0xC;
	s6 =	sadd.s32 s3, s31;
	s16 =	rddreg [dreg:$0xe];
	s8 =	spop (v2sf)  }
0xa9: {  	[tilespmem:s7], [sflag:$0x2] =	stream.linear.gather [hbm4b:s30+s1], $0x80, $0x38;
	[tilespmem:$0x10400] =	vst v63  }
0xaa: {  	(v2sf) =	vpush v63, $0xC;
	s7 =	sand.u32 $0x1FFFFFF0, s5;
	s14 =	sand.u32 $0x1FFFFFF0, s8;
	s15 =	spop (v2sf)  }
0xab: {  	[tilespmem:s9], [sflag:$0x1] =	stream.linear.gather [hbm4b:s6+s1], $0x80, $0x38;
	[tilespmem:$0x10400] =	vst v63  }
0xac: {  	s8 =	rddreg [dreg:$0xc];
	s11 =	sadd.s32 s4, s7;
	s17 =	sadd.s32 s3, s14  }
0xad: {  	[tilespmem:s16], [sflag:$0x2] =	stream.linear.gather [hbm4b:s11+s1], $0x80, $0x38;
	[tilespmem:$0x10400] =	vst v63  }
0xae: {  	s20 =	sand.u32 $0x1FFFFFF0, s15;
	s15 =	rddreg [dreg:$0xa];
	s21 =	spop (v2sf)  }
0xaf: {  	[tilespmem:s22], [sflag:$0x1] =	stream.linear.gather [hbm4b:s17+s1], $0x80, $0x38;
	[tilespmem:$0x10400] =	vst v63  }
0xb0: {  	s29 =	sadd.s32 s4, s20;
	s30 =	sand.u32 $0x1FFFFFF0, s21;
	s31 =	spop (v2sf)  }
0xb1: {  	[tilespmem:s8], [sflag:$0x2] =	stream.linear.gather [hbm4b:s29+s1], $0x80, $0x38;
	[tilespmem:$0x10400] =	vst v63  }
0xb2: {  	s21 =	rddreg [dreg:$0x4];
	s9 =	sadd.s32 s3, s30;
	s11 =	sand.u32 $0x1FFFFFF0, s31  }
0xb3: {  	[tilespmem:s15], [sflag:$0x1] =	stream.linear.gather [hbm4b:s9+s1], $0x80, $0x38;
	[tilespmem:$0x10400] =	vst v63  }
0xb4: {  	s31 =	rddreg [dreg:$0x6];
	s16 =	sadd.s32 s4, s11;
	s14 =	spop (v2sf)  }
0xb5: {  	(v2sf) =	vpush v1, $0xD;
	[tilespmem:s21], [sflag:$0x2] =	stream.linear.gather [hbm4b:s16+s1], $0x80, $0x38;
	[tilespmem:$0x10400] =	vst v63  }
.Ltmp0:
0xb6: {  	(v2sf) =	vpush v63, $0xD;
	s17 =	sand.u32 $0x1FFFFFF0, s14;
	s20 =	spop (v2sf);
	(pc) =	sbr.rel @p0 .LBB2_2-.Ltmp0, $4  }
0xb7: {  	(v2sf) =	vpush v1, $0xE;
	s22 =	sadd.s32 s3, s17;
	s29 =	sand.u32 $0x1FFFFFF0, s20;
	s30 =	spop (v2sf)  }
0xb8: {  	(v2sf) =	vpush v63, $0xE;
	[tilespmem:s2], [sflag:$0x1] =	stream.linear.gather [hbm4b:s22+s1], $0x80, $0x38;
	[tilespmem:$0x10400] =	vst v63  }
0xb9: {  	(v2sf) =	vpush v1, $0xF;
	s5 =	sadd.s32 s4, s29;
	s0 =	sand.u32 $0x1FFFFFF0, s30;
	s2 =	spop (v2sf)  }
0xba: {  	(v2sf) =	vpush v63, $0xF;
	[tilespmem:s31], [sflag:$0x2] =	stream.linear.gather [hbm4b:s5+s1], $0x80, $0x38;
	[tilespmem:$0x10400] =	vst v63  }
0xbb: {  	_ =	sdelay $0x4  }
0xbc: {  	s0 =	sadd.s32 s3, s0;
	s2 =	sand.u32 $0x1FFFFFF0, s2  }
0xbd: {  	[tilespmem:s28], [sflag:$0x1] =	stream.linear.gather [hbm4b:s0+s1], $0x80, $0x38;
	[tilespmem:$0x10400] =	vst v63  }
0xbe: {  	s6 =	sadd.s32 s4, s2  }
0xbf: {  	[tilespmem:s12], [sflag:$0x2] =	stream.linear.gather [hbm4b:s6+s1], $0x80, $0x38;
	[tilespmem:$0x10400] =	vst v63  }
0xc0: {  	s5 =	spop (v2sf)  }
0xc1: {  	s7 =	sand.u32 $0x1FFFFFF0, s5;
	s8 =	spop (v2sf)  }
0xc2: {  	s9 =	sadd.s32 s3, s7;
	s11 =	sand.u32 $0x1FFFFFF0, s8;
	s12 =	spop (v2sf)  }
0xc3: {  	[tilespmem:s13], [sflag:$0x1] =	stream.linear.gather [hbm4b:s9+s1], $0x80, $0x38;
	[tilespmem:$0x10400] =	vst v63  }
0xc4: {  	s14 =	sadd.s32 s4, s11;
	s15 =	sand.u32 $0x1FFFFFF0, s12;
	s16 =	spop (v2sf)  }
0xc5: {  	[tilespmem:s10], [sflag:$0x2] =	stream.linear.gather [hbm4b:s14+s1], $0x80, $0x38;
	[tilespmem:$0x10400] =	vst v63  }
0xc6: {  	s17 =	sadd.s32 s3, s15;
	s19 =	sand.u32 $0x1FFFFFF0, s16;
	s20 =	spop (v2sf)  }
0xc7: {  	[tilespmem:s26], [sflag:$0x1] =	stream.linear.gather [hbm4b:s17+s1], $0x80, $0x38;
	[tilespmem:$0x10400] =	vst v63  }
0xc8: {  	s21 =	sadd.s32 s4, s19;
	s22 =	sand.u32 $0x1FFFFFF0, s20;
	s23 =	spop (v2sf)  }
0xc9: {  	[tilespmem:s25], [sflag:$0x2] =	stream.linear.gather [hbm4b:s21+s1], $0x80, $0x38;
	[tilespmem:$0x10400] =	vst v63  }
0xca: {  	s24 =	sadd.s32 $0xB80, s18;
	s2 =	sadd.s32 s3, s22;
	s5 =	sand.u32 $0x1FFFFFF0, s23  }
0xcb: {  	[tilespmem:s24], [sflag:$0x1] =	stream.linear.gather [hbm4b:s2+s1], $0x80, $0x38;
	[tilespmem:$0x10400] =	vst v63  }
0xcc: {  	s29 =	simm.s32 $0x1;
	s26 =	sadd.s32 s4, s5;
	s25 =	sadd.s32 $0x8B80, s18  }
0xcd: {  	[tilespmem:s25], [sflag:$0x2] =	stream.linear.gather [hbm4b:s26+s1], $0x80, $0x38;
	[tilespmem:$0x10400] =	vst v63  }
0xce: {  	_ =	swait.ge [sflag:s29], $0x8000  }
0xcf: {  	[sflag:s29] =	ssyncset.done $0x0  }
0xd0: {  	s30 =	simm.s32 $0x2;
	[sflag:s29] =	ssyncadd.s32 $0xFFFF8000  }
0xd1: {  	_ =	swait.ge [sflag:s30], $0x8000  }
0xd2: {  	s31 =	simm.s32 $0x0;
	s7 =	simm.s32 $0x400;
	[sflag:s30] =	ssyncset.done $0x0  }
0xd3: {  	s8 =	simm.s32 $0x3;
	s6 =	rddreg [dreg:$0x18];
	[sflag:s30] =	ssyncadd.s32 $0xFFFF8000  }
0xd4: {  	[hbm4b:s6+s31] =	stream.linear.scatter [tilespmem:s7], [sflag:$0x3], $0x8000, $0x38;
	[tilespmem:$0x10400] =	vst v63  }
0xd5: {  	_ =	swait.ge [sflag:s8], $0x8000  }
0xd6: {  	[sflag:s8] =	ssyncset.done $0x0  }
0xd7: {  	s6 =	simm.s32 $0x8400;
	s9 =	rddreg [dreg:$0x19];
	[sflag:s8] =	ssyncadd.s32 $0xFFFF8000  }
0xd8: {  	[hbm4b:s9+s31] =	stream.linear.scatter [tilespmem:s6], [sflag:$0x3], $0x8000, $0x38;
	[tilespmem:$0x10400] =	vst v63  }
0xd9: {  	_ =	swait.ge [sflag:s8], $0x8000  }
0xda: {  	[sflag:s8] =	ssyncset.done $0x0  }
0xdb: {  	s10 =	simm.s32 $0x100;
	[sflag:s8] =	ssyncadd.s32 $0xFFFF8000  }
0xdc: {  	s11 =	simm.s32 $0x300;
	v0 =	vld [tilespmem:s10+$0x0]  }
0xdd: {  	v2 =	vld [tilespmem:s11+$0x0];
	_ =	sdelay $0x3  }
0xde: {  	v1 =	vshll.u32 v0, $0x4  }
0xdf: {  	v63 =	vshll.u32 v2, $0x4;
	(v2sf) =	vpush v1, $0x0  }
0xe0: {  	(v2sf) =	vpush v63, $0x0;
	_ =	sdelay $0x2  }
0xe1: {  	(v2sf) =	vpush v1, $0x1  }
0xe2: {  	(v2sf) =	vpush v63, $0x1;
	_ =	sdelay $0x1  }
0xe3: {  	(v2sf) =	vpush v1, $0x2;
	_ =	sdelay $0x1  }
0xe4: {  	(v2sf) =	vpush v63, $0x2;
	_ =	sdelay $0x1  }
0xe5: {  	s0 =	simm.s32 $0x8900;
	(v2sf) =	vpush v1, $0x3  }
0xe6: {  	s28 =	simm.s32 $0xA00;
	s12 =	simm.s32 $0x8400;
	s16 =	simm.s32 $0x480  }
0xe7: {  	s19 =	simm.s32 $0x2000;
	s23 =	simm.s32 $0x500;
	s5 =	simm.s32 $0x680;
	(v2sf) =	vpush v63, $0x3  }
0xe8: {  	s18 =	simm.s32 $0x0;
	s21 =	simm.s32 $0x8480;
	s2 =	simm.s32 $0x880  }
0xe9: {  	s26 =	simm.s32 $0x8500;
	s7 =	simm.s32 $0x400;
	s8 =	spop (v2sf)  }
0xea: {  	s9 =	simm.s32 $0x600;
	s8 =	sand.u32 $0x1FFFFFF0, s8;
	s11 =	spop (v2sf)  }
0xeb: {  	s10 =	simm.s32 $0x580;
	(v2sf) =	vpush v1, $0x4;
	s8 =	sadd.s32 s3, s8;
	s13 =	sand.u32 $0x1FFFFFF0, s11  }
0xec: {  	(v2sf) =	vpush v63, $0x4;
	[tilespmem:s7], [sflag:$0x1] =	stream.linear.gather [hbm4b:s8+s1], $0x80, $0x38;
	[tilespmem:$0x10400] =	vst v63  }
0xed: {  	s14 =	spop (v2sf);
	s7 =	simm.s32 $0x8580;
	s8 =	sadd.s32 s4, s13  }
0xee: {  	s11 =	sand.u32 $0x1FFFFFF0, s14;
	s15 =	spop (v2sf);
	s14 =	simm.s32 $0x8600  }
0xef: {  	(v2sf) =	vpush v1, $0x5;
	[tilespmem:s12], [sflag:$0x2] =	stream.linear.gather [hbm4b:s8+s1], $0x80, $0x38;
	[tilespmem:$0x10400] =	vst v63  }
0xf0: {  	s17 =	sadd.s32 s3, s11;
	s20 =	sand.u32 $0x1FFFFFF0, s15;
	s22 =	spop (v2sf)  }
0xf1: {  	(v2sf) =	vpush v63, $0x5;
	[tilespmem:s16], [sflag:$0x1] =	stream.linear.gather [hbm4b:s17+s1], $0x80, $0x38;
	[tilespmem:$0x10400] =	vst v63  }
0xf2: {  	s11 =	sadd.s32 s4, s20;
	s8 =	sand.u32 $0x1FFFFFF0, s22;
	s24 =	spop (v2sf)  }
0xf3: {  	[tilespmem:s21], [sflag:$0x2] =	stream.linear.gather [hbm4b:s11+s1], $0x80, $0x38;
	[tilespmem:$0x10400] =	vst v63  }
0xf4: {  	(v2sf) =	vpush v1, $0x6;
	s8 =	sadd.s32 s3, s8;
	s25 =	spop (v2sf);
	s11 =	sand.u32 $0x1FFFFFF0, s24  }
0xf5: {  	(v2sf) =	vpush v63, $0x6;
	[tilespmem:s23], [sflag:$0x1] =	stream.linear.gather [hbm4b:s8+s1], $0x80, $0x38;
	[tilespmem:$0x10400] =	vst v63  }
0xf6: {  	s30 =	sand.u32 $0x1FFFFFF0, s25;
	s31 =	spop (v2sf);
	s29 =	sadd.s32 s4, s11  }
0xf7: {  	(v2sf) =	vpush v1, $0x7;
	[tilespmem:s26], [sflag:$0x2] =	stream.linear.gather [hbm4b:s29+s1], $0x80, $0x38;
	[tilespmem:$0x10400] =	vst v63  }
0xf8: {  	s12 =	simm.s32 $0x8A00;
	s13 =	sadd.s32 s3, s30;
	s6 =	sand.u32 $0x1FFFFFF0, s31  }
0xf9: {  	[tilespmem:s10], [sflag:$0x1] =	stream.linear.gather [hbm4b:s13+s1], $0x80, $0x38;
	[tilespmem:$0x10400] =	vst v63  }
0xfa: {  	s6 =	sadd.s32 s4, s6;
	s21 =	simm.s32 $0x8680;
	s15 =	spop (v2sf)  }
0xfb: {  	(v2sf) =	vpush v63, $0x7;
	s23 =	simm.s32 $0x700;
	s10 =	sand.u32 $0x1FFFFFF0, s15;
	s16 =	spop (v2sf)  }
0xfc: {  	[tilespmem:s7], [sflag:$0x2] =	stream.linear.gather [hbm4b:s6+s1], $0x80, $0x38;
	[tilespmem:$0x10400] =	vst v63  }
0xfd: {  	s13 =	simm.s32 $0xA80;
	(v2sf) =	vpush v1, $0x8;
	s17 =	sadd.s32 s3, s10;
	s20 =	sand.u32 $0x1FFFFFF0, s16  }
0xfe: {  	s10 =	simm.s32 $0x8A80;
	s22 =	spop (v2sf);
	s7 =	sadd.s32 s4, s20  }
0xff: {  	(v2sf) =	vpush v63, $0x8;
	[tilespmem:s9], [sflag:$0x1] =	stream.linear.gather [hbm4b:s17+s1], $0x80, $0x38;
	[tilespmem:$0x10400] =	vst v63  }
0x100: {  	s24 =	sand.u32 $0x1FFFFFF0, s22;
	s25 =	spop (v2sf);
	s17 =	simm.s32 $0x780  }
0x101: {  	(v2sf) =	vpush v1, $0x9;
	s22 =	simm.s32 $0x8780;
	s8 =	sadd.s32 s3, s24;
	s9 =	sand.u32 $0x1FFFFFF0, s25  }
0x102: {  	(v2sf) =	vpush v63, $0x9;
	[tilespmem:s14], [sflag:$0x2] =	stream.linear.gather [hbm4b:s7+s1], $0x80, $0x38;
	[tilespmem:$0x10400] =	vst v63  }
0x103: {  	s26 =	spop (v2sf);
	s24 =	simm.s32 $0x800;
	s29 =	sadd.s32 s4, s9  }
0x104: {  	(v2sf) =	vpush v1, $0xA;
	s30 =	sand.u32 $0x1FFFFFF0, s26;
	s31 =	spop (v2sf);
	s14 =	simm.s32 $0x8700  }
0x105: {  	[tilespmem:s5], [sflag:$0x1] =	stream.linear.gather [hbm4b:s8+s1], $0x80, $0x38;
	[tilespmem:$0x10400] =	vst v63  }
0x106: {  	(v2sf) =	vpush v63, $0xA;
	s9 =	simm.s32 $0x8880;
	s11 =	sadd.s32 s3, s30;
	s15 =	spop (v2sf)  }
0x107: {  	[tilespmem:s21], [sflag:$0x2] =	stream.linear.gather [hbm4b:s29+s1], $0x80, $0x38;
	[tilespmem:$0x10400] =	vst v63  }
0x108: {  	s6 =	sand.u32 $0x1FFFFFF0, s31;
	(v2sf) =	vpush v1, $0xB;
	s5 =	simm.s32 $0x8980;
	s8 =	sand.u32 $0x1FFFFFF0, s15  }
0x109: {  	[tilespmem:s23], [sflag:$0x1] =	stream.linear.gather [hbm4b:s11+s1], $0x80, $0x38;
	[tilespmem:$0x10400] =	vst v63  }
0x10a: {  	s6 =	sadd.s32 s4, s6;
	s16 =	spop (v2sf);
	s20 =	sadd.s32 s3, s8  }
0x10b: {  	[tilespmem:s14], [sflag:$0x2] =	stream.linear.gather [hbm4b:s6+s1], $0x80, $0x38;
	[tilespmem:$0x10400] =	vst v63  }
0x10c: {  	(v2sf) =	vpush v63, $0xB;
	s21 =	sand.u32 $0x1FFFFFF0, s16;
	s29 =	simm.s32 $0x8800;
	s23 =	spop (v2sf)  }
0x10d: {  	[tilespmem:s17], [sflag:$0x1] =	stream.linear.gather [hbm4b:s20+s1], $0x80, $0x38;
	[tilespmem:$0x10400] =	vst v63  }
0x10e: {  	s8 =	sadd.s32 s4, s21;
	s7 =	sand.u32 $0x1FFFFFF0, s23;
	s25 =	spop (v2sf)  }
0x10f: {  	[tilespmem:s22], [sflag:$0x2] =	stream.linear.gather [hbm4b:s8+s1], $0x80, $0x38;
	[tilespmem:$0x10400] =	vst v63  }
0x110: {  	s14 =	simm.s32 $0x900;
	(v2sf) =	vpush v1, $0xC;
	s7 =	sadd.s32 s3, s7;
	s26 =	spop (v2sf)  }
0x111: {  	s8 =	sand.u32 $0x1FFFFFF0, s25;
	(v2sf) =	vpush v63, $0xC;
	s25 =	simm.s32 $0x980;
	s11 =	spop (v2sf)  }
0x112: {  	[tilespmem:s24], [sflag:$0x1] =	stream.linear.gather [hbm4b:s7+s1], $0x80, $0x38;
	[tilespmem:$0x10400] =	vst v63  }
0x113: {  	s30 =	sadd.s32 s4, s8;
	s31 =	sand.u32 $0x1FFFFFF0, s26;
	s15 =	spop (v2sf)  }
0x114: {  	[tilespmem:s29], [sflag:$0x2] =	stream.linear.gather [hbm4b:s30+s1], $0x80, $0x38;
	[tilespmem:$0x10400] =	vst v63  }
0x115: {  	s8 =	sadd.s32 s3, s31;
	s7 =	sand.u32 $0x1FFFFFF0, s11;
	s16 =	spop (v2sf)  }
0x116: {  	[tilespmem:s2], [sflag:$0x1] =	stream.linear.gather [hbm4b:s8+s1], $0x80, $0x38;
	[tilespmem:$0x10400] =	vst v63  }
0x117: {  	s7 =	sadd.s32 s4, s7;
	s21 =	spop (v2sf);
	s8 =	sand.u32 $0x1FFFFFF0, s15  }
0x118: {  	[tilespmem:s9], [sflag:$0x2] =	stream.linear.gather [hbm4b:s7+s1], $0x80, $0x38;
	[tilespmem:$0x10400] =	vst v63  }
0x119: {  	s20 =	sand.u32 $0x1FFFFFF0, s16;
	s23 =	sand.u32 $0x1FFFFFF0, s21;
	s17 =	sadd.s32 s3, s8  }
0x11a: {  	[tilespmem:s14], [sflag:$0x1] =	stream.linear.gather [hbm4b:s17+s1], $0x80, $0x38;
	[tilespmem:$0x10400] =	vst v63  }
0x11b: {  	s22 =	sadd.s32 s4, s20;
	s24 =	spop (v2sf);
	s26 =	sadd.s32 s3, s23  }
0x11c: {  	(v2sf) =	vpush v1, $0xD;
	[tilespmem:s0], [sflag:$0x2] =	stream.linear.gather [hbm4b:s22+s1], $0x80, $0x38;
	[tilespmem:$0x10400] =	vst v63  }
0x11d: {  	(v2sf) =	vpush v63, $0xD;
	s29 =	sand.u32 $0x1FFFFFF0, s24;
	s23 =	simm.s32 $0x110;
	s24 =	simm.s32 $0x310  }
0x11e: {  	(v2sf) =	vpush v1, $0xE;
	[tilespmem:s25], [sflag:$0x1] =	stream.linear.gather [hbm4b:s26+s1], $0x80, $0x38;
	[tilespmem:$0x10400] =	vst v63  }
0x11f: {  	s30 =	sadd.s32 s4, s29;
	(v2sf) =	vpush v63, $0xE;
	s31 =	spop (v2sf);
	s26 =	simm.s32 $0xB00  }
0x120: {  	(v2sf) =	vpush v1, $0xF;
	s25 =	simm.s32 $0x8B00;
	s0 =	sand.u32 $0x1FFFFFF0, s31;
	s2 =	spop (v2sf)  }
0x121: {  	(v2sf) =	vpush v63, $0xF;
	[tilespmem:s5], [sflag:$0x2] =	stream.linear.gather [hbm4b:s30+s1], $0x80, $0x38;
	[tilespmem:$0x10400] =	vst v63  }
.LBB2_4:
0x122: {  	_ =	sdelay $0x4  }
0x123: {  	s0 =	sadd.s32 s3, s0;
	s2 =	sand.u32 $0x1FFFFFF0, s2  }
0x124: {  	[tilespmem:s28], [sflag:$0x1] =	stream.linear.gather [hbm4b:s0+s1], $0x80, $0x38;
	[tilespmem:$0x10400] =	vst v63  }
0x125: {  	s29 =	sadd.s32 s4, s2  }
0x126: {  	[tilespmem:s12], [sflag:$0x2] =	stream.linear.gather [hbm4b:s29+s1], $0x80, $0x38;
	[tilespmem:$0x10400] =	vst v63  }
0x127: {  	s5 =	spop (v2sf)  }
0x128: {  	s30 =	sand.u32 $0x1FFFFFF0, s5;
	s31 =	spop (v2sf)  }
0x129: {  	s2 =	sadd.s32 s3, s30;
	s5 =	sand.u32 $0x1FFFFFF0, s31;
	s6 =	spop (v2sf)  }
0x12a: {  	[tilespmem:s13], [sflag:$0x1] =	stream.linear.gather [hbm4b:s2+s1], $0x80, $0x38;
	[tilespmem:$0x10400] =	vst v63  }
0x12b: {  	s7 =	sadd.s32 s4, s5;
	s8 =	sand.u32 $0x1FFFFFF0, s6;
	s9 =	spop (v2sf)  }
0x12c: {  	[tilespmem:s10], [sflag:$0x2] =	stream.linear.gather [hbm4b:s7+s1], $0x80, $0x38;
	[tilespmem:$0x10400] =	vst v63  }
0x12d: {  	s11 =	sand.u32 $0x1FFFFFF0, s9;
	s12 =	spop (v2sf);
	s10 =	sadd.s32 s3, s8  }
0x12e: {  	[tilespmem:s26], [sflag:$0x1] =	stream.linear.gather [hbm4b:s10+s1], $0x80, $0x38;
	[tilespmem:$0x10400] =	vst v63  }
0x12f: {  	s13 =	sadd.s32 s4, s11;
	s14 =	sand.u32 $0x1FFFFFF0, s12;
	s15 =	spop (v2sf)  }
0x130: {  	[tilespmem:s25], [sflag:$0x2] =	stream.linear.gather [hbm4b:s13+s1], $0x80, $0x38;
	[tilespmem:$0x10400] =	vst v63  }
0x131: {  	s16 =	sadd.s32 $0xB80, s18;
	s2 =	sadd.s32 s3, s14;
	s5 =	sand.u32 $0x1FFFFFF0, s15  }
0x132: {  	[tilespmem:s16], [sflag:$0x1] =	stream.linear.gather [hbm4b:s2+s1], $0x80, $0x38;
	[tilespmem:$0x10400] =	vst v63  }
0x133: {  	s17 =	sadd.s32 $0x8B80, s18;
	s18 =	sadd.s32 s4, s5  }
0x134: {  	[tilespmem:s17], [sflag:$0x2] =	stream.linear.gather [hbm4b:s18+s1], $0x80, $0x38;
	[tilespmem:$0x10400] =	vst v63  }
0x135: {  	v0 =	vld [tilespmem:s23+$0x0]  }
0x136: {  	v2 =	vld [tilespmem:s24+$0x0];
	_ =	sdelay $0x3  }
0x137: {  	v1 =	vshll.u32 v0, $0x4  }
0x138: {  	s20 =	smov.u32 s19;
	v63 =	vshll.u32 v2, $0x4;
	(v2sf) =	vpush v1, $0x0  }
0x139: {  	s18 =	sshra.s32 s20, $0x2;
	(v2sf) =	vpush v63, $0x0  }
0x13a: {  	p0 =	sne.s32 s19, $0x1E000;
	s19 =	sadd.s32 $0x2000, s19;
	s30 =	sadd.s32 $0x8400, s18;
	(v2sf) =	vpush v1, $0x1  }
0x13b: {  	s6 =	sadd.s32 $0x680, s18;
	s0 =	sadd.s32 $0x880, s18;
	s29 =	sadd.s32 $0x400, s18  }
0x13c: {  	s13 =	sadd.s32 $0x600, s18;
	s21 =	sadd.s32 $0x8900, s18;
	s12 =	sadd.s32 $0x580, s18;
	(v2sf) =	vpush v63, $0x1  }
0x13d: {  	s17 =	sadd.s32 $0x8580, s18;
	s22 =	sadd.s32 $0x8A00, s18;
	s20 =	sadd.s32 $0x500, s18  }
0x13e: {  	s14 =	sadd.s32 $0x8600, s18;
	s5 =	sadd.s32 $0xA80, s18;
	s31 =	sadd.s32 $0x8480, s18;
	(v2sf) =	vpush v1, $0x2  }
0x13f: {  	s11 =	sadd.s32 $0x8680, s18;
	s10 =	sadd.s32 $0x700, s18;
	[dreg:$0x9] =	wrdreg s0  }
0x140: {  	s25 =	sadd.s32 $0x8980, s18;
	s26 =	sadd.s32 $0x8A80, s18;
	[dreg:$0x5] =	wrdreg s21;
	(v2sf) =	vpush v63, $0x2  }
0x141: {  	s9 =	sadd.s32 $0x8700, s18;
	s7 =	sadd.s32 $0x8880, s18;
	[dreg:$0x13] =	wrdreg s22  }
0x142: {  	s8 =	sadd.s32 $0x900, s18;
	s15 =	sadd.s32 $0x8800, s18;
	[dreg:$0x7] =	wrdreg s25;
	(v2sf) =	vpush v1, $0x3  }
0x143: {  	s28 =	sadd.s32 $0xA00, s18;
	s16 =	sadd.s32 $0x800, s18;
	[dreg:$0x15] =	wrdreg s26  }
0x144: {  	s23 =	sadd.s32 $0x10, s23;
	s24 =	sadd.s32 $0x10, s24;
	[dreg:$0xd] =	wrdreg s7;
	(v2sf) =	vpush v63, $0x3  }
0x145: {  	s2 =	sadd.s32 $0x980, s18;
	s0 =	sadd.s32 $0x8500, s18;
	[dreg:$0xb] =	wrdreg s8  }
0x146: {  	s8 =	sadd.s32 $0x780, s18;
	[dreg:$0xf] =	wrdreg s15;
	s15 =	sadd.s32 $0x480, s18;
	(v2sf) =	vpush v1, $0x4  }
0x147: {  	s7 =	sadd.s32 $0x8780, s18;
	[dreg:$0x11] =	wrdreg s16;
	s21 =	spop (v2sf)  }
0x148: {  	s26 =	sadd.s32 $0xB00, s18;
	s21 =	sand.u32 $0x1FFFFFF0, s21;
	s22 =	spop (v2sf);
	(v2sf) =	vpush v63, $0x4  }
0x149: {  	s21 =	sadd.s32 s3, s21;
	s22 =	sand.u32 $0x1FFFFFF0, s22;
	s16 =	spop (v2sf)  }
0x14a: {  	(v2sf) =	vpush v1, $0x5;
	[tilespmem:s29], [sflag:$0x1] =	stream.linear.gather [hbm4b:s21+s1], $0x80, $0x38;
	[tilespmem:$0x10400] =	vst v63  }
0x14b: {  	s22 =	sadd.s32 s4, s22;
	s16 =	sand.u32 $0x1FFFFFF0, s16;
	s29 =	spop (v2sf);
	(v2sf) =	vpush v63, $0x5  }
0x14c: {  	[tilespmem:s30], [sflag:$0x2] =	stream.linear.gather [hbm4b:s22+s1], $0x80, $0x38;
	[tilespmem:$0x10400] =	vst v63  }
0x14d: {  	s16 =	sadd.s32 s3, s16;
	s29 =	sand.u32 $0x1FFFFFF0, s29;
	s30 =	spop (v2sf);
	(v2sf) =	vpush v1, $0x6  }
0x14e: {  	[tilespmem:s15], [sflag:$0x1] =	stream.linear.gather [hbm4b:s16+s1], $0x80, $0x38;
	[tilespmem:$0x10400] =	vst v63  }
0x14f: {  	s21 =	sand.u32 $0x1FFFFFF0, s30;
	s22 =	spop (v2sf);
	(v2sf) =	vpush v63, $0x6;
	s16 =	sadd.s32 s4, s29  }
0x150: {  	[tilespmem:s31], [sflag:$0x2] =	stream.linear.gather [hbm4b:s16+s1], $0x80, $0x38;
	[tilespmem:$0x10400] =	vst v63  }
0x151: {  	s29 =	sadd.s32 s3, s21;
	s30 =	sand.u32 $0x1FFFFFF0, s22;
	s31 =	spop (v2sf)  }
0x152: {  	(v2sf) =	vpush v1, $0x7;
	[tilespmem:s20], [sflag:$0x1] =	stream.linear.gather [hbm4b:s29+s1], $0x80, $0x38;
	[tilespmem:$0x10400] =	vst v63  }
0x153: {  	s21 =	sand.u32 $0x1FFFFFF0, s31;
	s22 =	spop (v2sf);
	s20 =	sadd.s32 s4, s30  }
0x154: {  	(v2sf) =	vpush v63, $0x7;
	[tilespmem:s0], [sflag:$0x2] =	stream.linear.gather [hbm4b:s20+s1], $0x80, $0x38;
	[tilespmem:$0x10400] =	vst v63  }
0x155: {  	s29 =	sadd.s32 s3, s21;
	s30 =	sand.u32 $0x1FFFFFF0, s22;
	s31 =	spop (v2sf)  }
0x156: {  	[tilespmem:s12], [sflag:$0x1] =	stream.linear.gather [hbm4b:s29+s1], $0x80, $0x38;
	[tilespmem:$0x10400] =	vst v63  }
0x157: {  	s21 =	sand.u32 $0x1FFFFFF0, s31;
	s20 =	sadd.s32 s4, s30;
	s22 =	spop (v2sf)  }
0x158: {  	(v2sf) =	vpush v1, $0x8;
	[tilespmem:s17], [sflag:$0x2] =	stream.linear.gather [hbm4b:s20+s1], $0x80, $0x38;
	[tilespmem:$0x10400] =	vst v63  }
0x159: {  	s25 =	sadd.s32 $0x8B00, s18;
	s29 =	sadd.s32 s3, s21;
	s31 =	spop (v2sf)  }
0x15a: {  	s12 =	rddreg [dreg:$0x13];
	(v2sf) =	vpush v63, $0x8;
	s30 =	sand.u32 $0x1FFFFFF0, s22;
	s20 =	spop (v2sf)  }
0x15b: {  	(v2sf) =	vpush v1, $0x9;
	[tilespmem:s13], [sflag:$0x1] =	stream.linear.gather [hbm4b:s29+s1], $0x80, $0x38;
	[tilespmem:$0x10400] =	vst v63  }
0x15c: {  	s16 =	sadd.s32 s4, s30;
	s17 =	sand.u32 $0x1FFFFFF0, s31;
	s29 =	spop (v2sf)  }
0x15d: {  	(v2sf) =	vpush v63, $0x9;
	[tilespmem:s14], [sflag:$0x2] =	stream.linear.gather [hbm4b:s16+s1], $0x80, $0x38;
	[tilespmem:$0x10400] =	vst v63  }
0x15e: {  	s22 =	sand.u32 $0x1FFFFFF0, s20;
	s13 =	smov.u32 s5;
	s5 =	spop (v2sf)  }
0x15f: {  	s21 =	sadd.s32 s3, s17;
	s30 =	sadd.s32 s4, s22;
	s14 =	sand.u32 $0x1FFFFFF0, s5  }
0x160: {  	[tilespmem:s6], [sflag:$0x1] =	stream.linear.gather [hbm4b:s21+s1], $0x80, $0x38;
	[tilespmem:$0x10400] =	vst v63  }
0x161: {  	(v2sf) =	vpush v1, $0xA;
	s31 =	sand.u32 $0x1FFFFFF0, s29;
	s16 =	sadd.s32 s4, s14;
	s15 =	spop (v2sf)  }
0x162: {  	[tilespmem:s11], [sflag:$0x2] =	stream.linear.gather [hbm4b:s30+s1], $0x80, $0x38;
	[tilespmem:$0x10400] =	vst v63  }
0x163: {  	(v2sf) =	vpush v63, $0xA;
	s11 =	sadd.s32 s3, s31;
	s17 =	sand.u32 $0x1FFFFFF0, s15;
	s20 =	spop (v2sf)  }
0x164: {  	[tilespmem:s10], [sflag:$0x1] =	stream.linear.gather [hbm4b:s11+s1], $0x80, $0x38;
	[tilespmem:$0x10400] =	vst v63  }
0x165: {  	s21 =	sadd.s32 s3, s17;
	s22 =	sand.u32 $0x1FFFFFF0, s20;
	s10 =	rddreg [dreg:$0x15]  }
0x166: {  	[tilespmem:s9], [sflag:$0x2] =	stream.linear.gather [hbm4b:s16+s1], $0x80, $0x38;
	[tilespmem:$0x10400] =	vst v63  }
0x167: {  	(v2sf) =	vpush v1, $0xB;
	s29 =	spop (v2sf);
	s30 =	sadd.s32 s4, s22;
	s22 =	rddreg [dreg:$0x9]  }
0x168: {  	[tilespmem:s8], [sflag:$0x1] =	stream.linear.gather [hbm4b:s21+s1], $0x80, $0x38;
	[tilespmem:$0x10400] =	vst v63  }
0x169: {  	(v2sf) =	vpush v63, $0xB;
	s31 =	sand.u32 $0x1FFFFFF0, s29;
	s9 =	rddreg [dreg:$0x11];
	s5 =	spop (v2sf)  }
0x16a: {  	(v2sf) =	vpush v1, $0xC;
	s6 =	sadd.s32 s3, s31;
	s16 =	rddreg [dreg:$0xf];
	s8 =	spop (v2sf)  }
0x16b: {  	[tilespmem:s7], [sflag:$0x2] =	stream.linear.gather [hbm4b:s30+s1], $0x80, $0x38;
	[tilespmem:$0x10400] =	vst v63  }
0x16c: {  	(v2sf) =	vpush v63, $0xC;
	s7 =	sand.u32 $0x1FFFFFF0, s5;
	s14 =	sand.u32 $0x1FFFFFF0, s8;
	s15 =	spop (v2sf)  }
0x16d: {  	[tilespmem:s9], [sflag:$0x1] =	stream.linear.gather [hbm4b:s6+s1], $0x80, $0x38;
	[tilespmem:$0x10400] =	vst v63  }
0x16e: {  	s8 =	rddreg [dreg:$0xd];
	s11 =	sadd.s32 s4, s7;
	s17 =	sadd.s32 s3, s14  }
0x16f: {  	[tilespmem:s16], [sflag:$0x2] =	stream.linear.gather [hbm4b:s11+s1], $0x80, $0x38;
	[tilespmem:$0x10400] =	vst v63  }
0x170: {  	s20 =	sand.u32 $0x1FFFFFF0, s15;
	s15 =	rddreg [dreg:$0xb];
	s21 =	spop (v2sf)  }
0x171: {  	[tilespmem:s22], [sflag:$0x1] =	stream.linear.gather [hbm4b:s17+s1], $0x80, $0x38;
	[tilespmem:$0x10400] =	vst v63  }
0x172: {  	s29 =	sadd.s32 s4, s20;
	s30 =	sand.u32 $0x1FFFFFF0, s21;
	s31 =	spop (v2sf)  }
0x173: {  	[tilespmem:s8], [sflag:$0x2] =	stream.linear.gather [hbm4b:s29+s1], $0x80, $0x38;
	[tilespmem:$0x10400] =	vst v63  }
0x174: {  	s21 =	rddreg [dreg:$0x5];
	s9 =	sadd.s32 s3, s30;
	s11 =	sand.u32 $0x1FFFFFF0, s31  }
0x175: {  	[tilespmem:s15], [sflag:$0x1] =	stream.linear.gather [hbm4b:s9+s1], $0x80, $0x38;
	[tilespmem:$0x10400] =	vst v63  }
0x176: {  	s31 =	rddreg [dreg:$0x7];
	s16 =	sadd.s32 s4, s11;
	s14 =	spop (v2sf)  }
0x177: {  	(v2sf) =	vpush v1, $0xD;
	[tilespmem:s21], [sflag:$0x2] =	stream.linear.gather [hbm4b:s16+s1], $0x80, $0x38;
	[tilespmem:$0x10400] =	vst v63  }
.Ltmp1:
0x178: {  	(v2sf) =	vpush v63, $0xD;
	s17 =	sand.u32 $0x1FFFFFF0, s14;
	s20 =	spop (v2sf);
	(pc) =	sbr.rel @p0 .LBB2_4-.Ltmp1, $4  }
0x179: {  	(v2sf) =	vpush v1, $0xE;
	s22 =	sadd.s32 s3, s17;
	s29 =	sand.u32 $0x1FFFFFF0, s20;
	s30 =	spop (v2sf)  }
0x17a: {  	(v2sf) =	vpush v63, $0xE;
	[tilespmem:s2], [sflag:$0x1] =	stream.linear.gather [hbm4b:s22+s1], $0x80, $0x38;
	[tilespmem:$0x10400] =	vst v63  }
0x17b: {  	(v2sf) =	vpush v1, $0xF;
	s5 =	sadd.s32 s4, s29;
	s0 =	sand.u32 $0x1FFFFFF0, s30;
	s2 =	spop (v2sf)  }
0x17c: {  	(v2sf) =	vpush v63, $0xF;
	[tilespmem:s31], [sflag:$0x2] =	stream.linear.gather [hbm4b:s5+s1], $0x80, $0x38;
	[tilespmem:$0x10400] =	vst v63  }
0x17d: {  	_ =	sdelay $0x4  }
0x17e: {  	s0 =	sadd.s32 s3, s0;
	s2 =	sand.u32 $0x1FFFFFF0, s2  }
0x17f: {  	[tilespmem:s28], [sflag:$0x1] =	stream.linear.gather [hbm4b:s0+s1], $0x80, $0x38;
	[tilespmem:$0x10400] =	vst v63  }
0x180: {  	s29 =	sadd.s32 s4, s2  }
0x181: {  	[tilespmem:s12], [sflag:$0x2] =	stream.linear.gather [hbm4b:s29+s1], $0x80, $0x38;
	[tilespmem:$0x10400] =	vst v63  }
0x182: {  	s5 =	spop (v2sf)  }
0x183: {  	s30 =	sand.u32 $0x1FFFFFF0, s5;
	s31 =	spop (v2sf)  }
0x184: {  	s6 =	sadd.s32 s3, s30;
	s7 =	sand.u32 $0x1FFFFFF0, s31;
	s8 =	spop (v2sf)  }
0x185: {  	[tilespmem:s13], [sflag:$0x1] =	stream.linear.gather [hbm4b:s6+s1], $0x80, $0x38;
	[tilespmem:$0x10400] =	vst v63  }
0x186: {  	s9 =	sadd.s32 s4, s7;
	s11 =	sand.u32 $0x1FFFFFF0, s8;
	s12 =	spop (v2sf)  }
0x187: {  	[tilespmem:s10], [sflag:$0x2] =	stream.linear.gather [hbm4b:s9+s1], $0x80, $0x38;
	[tilespmem:$0x10400] =	vst v63  }
0x188: {  	s13 =	sadd.s32 s3, s11;
	s14 =	sand.u32 $0x1FFFFFF0, s12;
	s15 =	spop (v2sf)  }
0x189: {  	[tilespmem:s26], [sflag:$0x1] =	stream.linear.gather [hbm4b:s13+s1], $0x80, $0x38;
	[tilespmem:$0x10400] =	vst v63  }
0x18a: {  	s16 =	sadd.s32 s4, s14;
	s17 =	sand.u32 $0x1FFFFFF0, s15;
	s19 =	spop (v2sf)  }
0x18b: {  	[tilespmem:s25], [sflag:$0x2] =	stream.linear.gather [hbm4b:s16+s1], $0x80, $0x38;
	[tilespmem:$0x10400] =	vst v63  }
0x18c: {  	s20 =	sadd.s32 $0xB80, s18;
	s2 =	sadd.s32 s3, s17;
	s5 =	sand.u32 $0x1FFFFFF0, s19  }
0x18d: {  	[tilespmem:s20], [sflag:$0x1] =	stream.linear.gather [hbm4b:s2+s1], $0x80, $0x38;
	[tilespmem:$0x10400] =	vst v63  }
0x18e: {  	s21 =	sadd.s32 $0x8B80, s18;
	s23 =	simm.s32 $0x1;
	s22 =	sadd.s32 s4, s5  }
0x18f: {  	[tilespmem:s21], [sflag:$0x2] =	stream.linear.gather [hbm4b:s22+s1], $0x80, $0x38;
	[tilespmem:$0x10400] =	vst v63  }
0x190: {  	_ =	swait.ge [sflag:s23], $0x8000  }
0x191: {  	[sflag:s23] =	ssyncset.done $0x0  }
0x192: {  	s24 =	simm.s32 $0x2;
	[sflag:s23] =	ssyncadd.s32 $0xFFFF8000  }
0x193: {  	_ =	swait.ge [sflag:s24], $0x8000  }
0x194: {  	s26 =	simm.s32 $0x400;
	[sflag:s24] =	ssyncset.done $0x0  }
0x195: {  	s5 =	simm.s32 $0x3;
	s25 =	rddreg [dreg:$0x1a];
	[sflag:s24] =	ssyncadd.s32 $0xFFFF8000  }
0x196: {  	[hbm4b:s25+s1] =	stream.linear.scatter [tilespmem:s26], [sflag:$0x3], $0x8000, $0x38;
	[tilespmem:$0x10400] =	vst v63  }
0x197: {  	_ =	swait.ge [sflag:s5], $0x8000  }
0x198: {  	[sflag:s5] =	ssyncset.done $0x0  }
0x199: {  	s29 =	simm.s32 $0x8400;
	s28 =	rddreg [dreg:$0x1b];
	[sflag:s5] =	ssyncadd.s32 $0xFFFF8000  }
0x19a: {  	[hbm4b:s28+s1] =	stream.linear.scatter [tilespmem:s29], [sflag:$0x3], $0x8000, $0x38;
	[tilespmem:$0x10400] =	vst v63  }
0x19b: {  	_ =	swait.ge [sflag:s5], $0x8000  }
0x19c: {  	s30 =	rddreg [dreg:$0x1d]  }
0x19d: {  	s31 =	rddreg [dreg:$0x1c];
	s2 =	sadd.s32 $0x1, s30  }
0x19e: {  	p0 =	sne.s32 s2, s31  }
.Ltmp2:
0x19f: {  	_ = 	snop;
	(pc) =	sbr.rel @p0 .LBB2_1-.Ltmp2, $3  }
0x1a0: {  	_ =	sdelay $0x1  }
0x1a1: {  	[sflag:s5] =	ssyncset.done $0x0  }
0x1a2: {  	[sflag:s5] =	ssyncadd.s32 $0xFFFF8000  }
0x1a3: {  	_ =	sfence.sel $0x180000  }
0x1a4: {  	[bflag:$0x0] =	sbarrier.arrive $0xFFFF  }
0x1a5: {  	_ =	strace $0x90000047  }
0x1a6: {  	s0 =	stileid.u32;
	[bflag:$0x2] =	sbarrier.arrive $0xFFFF  }
0x1a7: {  	p0 =	sne.s32 s0, $0x0;
	s0 =	rddreg [dreg:$0x3]  }
0x1a8: {  	s0 =	sadd.s32 @!p0 $0x100000, s0  }
0x1a9: {  	[sflag:s0] =	ssyncadd.tile.s32 @!p0 $0x1;
	_ =	shalt  }
.Lfunc_end2:
_tile_overlayer_lowered:
.L_overlay_start_2:
0x1aa: {  	(tag) =	ssettag $0x2  }
0x1ab: {  	s0 =	rddreg [dreg:$0x0];
	s2 =	stileid.u32  }
0x1ac: {  	s1 =	rddreg [dreg:$0x1];
	p0 =	sne.s32 s2, $0x0  }
0x1ad: {  	s3 =	rddreg [dreg:$0x2];
	[bflag:$0x3] =	sbarrier.arrive $0xFFFF;
	s2 =	simm.s32 @!p0 $0x1C03  }
0x1ae: {  	[timem:s3], [sflag:s2] =	dma.local @!p0 [hbm:s0], s1  }
0x1af: {  	s0 =	simm.s32 @!p0 $0x3  }
0x1b0: {  	_ =	swait.ge @!p0 [sflag:s0], s1  }
0x1b1: {  	s1 =	ssub.s32 @!p0 $0x0, s1;
	[sflag:s0] =	ssyncset.done @!p0 $0x0  }
0x1b2: {  	[sflag:s0] =	ssyncadd.s32 @!p0 s1  }
0x1b3: {  	[bflag:$0x3] =	sbarrier.arrive $0xFFFF  }
0x1b4: {  	_ =	shalt  }

</sc_bundles>
